<compile_context>
chip_gen: v7x
topology: tpu7x:2x2x1
jax: 0.10.2.dev20260603
libtpu: 0.0.44.dev20260713+nightly
codegen_flags: <defaults>
</compile_context>

<pallas_src>
import functools

import jax
import jax.numpy as jnp
from jax import lax
from jax.experimental import pallas as pl
from jax.experimental.pallas import tpu as pltpu
from jax.experimental.pallas import tpu_sc as plsc

DROP_PROB = 0.1


@functools.lru_cache(maxsize=None)
def _make_sc_kernel(N, C, B):
    info = plsc.get_sparse_core_info()
    NC, NS, L = info.num_cores, info.num_subcores, info.num_lanes
    NW = NC * NS
    rows_per_w = N // NW
    CHUNK = 256
    n_chunks = rows_per_w // CHUNK
    assert rows_per_w % CHUNK == 0 and n_chunks % 2 == 0
    assert C == 2 * L
    keep = 1.0 - DROP_PROB

    mesh = plsc.VectorSubcoreMesh(core_axis_name="c", subcore_axis_name="s")

    @functools.partial(
        pl.kernel,
        mesh=mesh,
        out_type=jax.ShapeDtypeStruct((N, C), jnp.float32),
        scratch_types=[
            pltpu.VMEM((CHUNK, C), jnp.float32),
            pltpu.VMEM((CHUNK, C), jnp.float32),
            pltpu.VMEM((CHUNK,), jnp.int32),
            pltpu.VMEM((CHUNK,), jnp.int32),
            pltpu.VMEM((L,), jnp.float32),
            pltpu.SemaphoreType.DMA,
            pltpu.SemaphoreType.DMA,
            pltpu.SemaphoreType.DMA,
            pltpu.SemaphoreType.DMA,
            pltpu.SemaphoreType.DMA,
            pltpu.SemaphoreType.DMA,
        ],
    )
    def k(rnd_hbm, bid_hbm, data_hbm, out_hbm,
          b0, b1, bv0, bv1, rndv,
          sd0, sd1, sb0, sb1, so0, so1):
        wid = lax.axis_index("s") * NC + lax.axis_index("c")
        base = wid * rows_per_w

        bufs, bvs = (b0, b1), (bv0, bv1)
        sds, sbs, sos = (sd0, sd1), (sb0, sb1), (so0, so1)

        pltpu.sync_copy(rnd_hbm, rndv)
        r = rndv[...]
        y = r + jnp.float32(keep)
        fl = y.astype(jnp.int32).astype(jnp.float32)
        tab_v = fl / jnp.float32(keep)

        def start_in(g, slot):
            row0 = base + g * CHUNK
            pltpu.async_copy(data_hbm.at[pl.ds(row0, CHUNK)], bufs[slot],
                             sds[slot])
            pltpu.async_copy(bid_hbm.at[pl.ds(row0, CHUNK)], bvs[slot],
                             sbs[slot])

        def wait_in(slot):
            pltpu.make_async_copy(data_hbm.at[pl.ds(0, CHUNK)], bufs[slot],
                                  sds[slot]).wait()
            pltpu.make_async_copy(bid_hbm.at[pl.ds(0, CHUNK)], bvs[slot],
                                  sbs[slot]).wait()

        def start_out(g, slot):
            row0 = base + g * CHUNK
            pltpu.async_copy(bufs[slot], out_hbm.at[pl.ds(row0, CHUNK)],
                             sos[slot])

        def wait_out(slot):
            pltpu.make_async_copy(bufs[slot], out_hbm.at[pl.ds(0, CHUNK)],
                                  sos[slot]).wait()

        def compute(slot):
            buf, bv = bufs[slot], bvs[slot]
            first = bv[pl.ds(0, L)]
            last = bv[pl.ds(CHUNK - L, L)]
            lo = first[0]
            hi = last[L - 1]

            def uniform(_):
                s_vec = tab_v.at[jnp.full((L,), lo, jnp.int32)].get(
                    mode="promise_in_bounds")

                def body(j, _):
                    for u in range(8):
                        rr = j * 8 + u
                        buf[rr, pl.ds(0, L)] = buf[rr, pl.ds(0, L)] * s_vec
                        buf[rr, pl.ds(L, L)] = buf[rr, pl.ds(L, L)] * s_vec
                    return 0

                lax.fori_loop(0, CHUNK // 8, body, 0)
                return 0

            def mixed(_):
                def body(j, _):
                    off16 = j * L
                    bid_vec = bv[pl.ds(off16, L)]
                    s_vec = tab_v.at[bid_vec].get(mode="promise_in_bounds")
                    for u in range(L):
                        s = s_vec[u]
                        rr = off16 + u
                        buf[rr, pl.ds(0, L)] = buf[rr, pl.ds(0, L)] * s
                        buf[rr, pl.ds(L, L)] = buf[rr, pl.ds(L, L)] * s
                    return 0

                lax.fori_loop(0, CHUNK // L, body, 0)
                return 0

            lax.cond(lo == hi, uniform, mixed, 0)

        start_in(0, 0)

        def pair_body(p, _):
            g0 = p * 2
            for slot in (0, 1):
                g = g0 + slot
                wait_in(slot)

                other = 1 - slot

                @pl.when(g + 1 < n_chunks)
                def _():
                    @pl.when(g >= 1)
                    def _():
                        wait_out(other)

                    start_in(g + 1, other)

                compute(slot)
                start_out(g, slot)

            return 0

        lax.fori_loop(0, n_chunks // 2, pair_body, 0)
        wait_out(0)
        wait_out(1)

    return k


def kernel(data, rnd, batch_id, depth, batch_size):
    N, C = data.shape
    B = rnd.shape[0]
    k = _make_sc_kernel(N, C, B)
    return k(rnd.reshape(B), batch_id, data)

# --- scband reference (transcript-rebuilt; emitter-appended) ---
"""Pipeline reference for scband-octree-drop-path-46617575031040 (READ-ONLY COPY).

The authoritative reference and input builder live on the scoring server;
editing this copy changes nothing except your own understanding.
"""

import jax, jax.numpy as jnp
import numpy as np

N = 1048576
C = 32
B = 16
DROP_PROB = 0.1


def setup_inputs(seed: int = 0) -> dict:
    key = jax.random.key(seed)
    k1, k2, k3 = jax.random.split(key, 3)
    data = jax.random.normal(k1, (N, C), dtype=jnp.float32)
    batch_id = jnp.sort(jax.random.randint(k2, (N,), 0, B, dtype=jnp.int32))
    rnd = jax.random.uniform(k3, (B, 1), dtype=jnp.float32)
    return {"data": data, "rnd": rnd, "batch_id": batch_id, "depth": 6, "batch_size": B}


def reference(data, rnd, batch_id, depth, batch_size):
    # OctreeDropPath.forward with training=True, drop_prob=0.1,
    # scale_by_keep=True, batch_id explicitly provided (ndim==2 path).
    keep_prob = 1.0 - DROP_PROB
    # rnd_tensor = floor(rand(batch_size,1) + keep_prob)
    rnd_tensor = jnp.floor(rnd + keep_prob)
    # scale_by_keep
    rnd_tensor = rnd_tensor / keep_prob
    # per-node gather of per-sample mask (SparseCore-style gather)
    drop_mask = jnp.take(rnd_tensor, batch_id, axis=0)  # [N, 1]
    output = data * drop_mask
    return output

if __name__ == "__main__":
    import jax
    _d = setup_inputs()
    print(jax.jit(kernel)(*tuple(_d.values())))

</pallas_src>

<mosaic_0001>
#map = affine_map<(d0, d1) -> (0)>
#map1 = affine_map<(d0, d1) -> (0, 0)>
module attributes {stable_mosaic.version = 14 : i64} {
  func.func @k(%arg0: i32, %arg1: i32, %arg2: memref<16xf32, #tpu.memory_space<hbm>>, %arg3: memref<1048576xi32, #tpu.memory_space<hbm>>, %arg4: memref<1048576x32xf32, #tpu.memory_space<hbm>>, %arg5: memref<1048576x32xf32, #tpu.memory_space<hbm>>, %arg6: memref<256x32xf32, #tpu.memory_space<vmem>>, %arg7: memref<256x32xf32, #tpu.memory_space<vmem>>, %arg8: memref<256xi32, #tpu.memory_space<vmem>>, %arg9: memref<256xi32, #tpu.memory_space<vmem>>, %arg10: memref<16xf32, #tpu.memory_space<vmem>>, %arg11: memref<!tpu.dma_semaphore, #tpu.memory_space<semaphore_mem>>, %arg12: memref<!tpu.dma_semaphore, #tpu.memory_space<semaphore_mem>>, %arg13: memref<!tpu.dma_semaphore, #tpu.memory_space<semaphore_mem>>, %arg14: memref<!tpu.dma_semaphore, #tpu.memory_space<semaphore_mem>>, %arg15: memref<!tpu.dma_semaphore, #tpu.memory_space<semaphore_mem>>, %arg16: memref<!tpu.dma_semaphore, #tpu.memory_space<semaphore_mem>>) attributes {dimension_semantics = [#tpu.dimension_semantics<core_parallel>, #tpu.dimension_semantics<subcore_parallel>], iteration_bounds = array<i64: 2, 16>, scalar_prefetch = 0 : i64, scratch_operands = 11 : i64, tpu.core_type = #tpu.core_type<sc_vector_subcore>, window_params = [{transform_indices = #map}, {transform_indices = #map}, {transform_indices = #map1}, {transform_indices = #map1}]} {
    %mul3A = arith.constant 2 : i32
    %mul3A_0 = arith.muli %arg1, %mul3A : i32
    %add3A = arith.addi %mul3A_0, %arg0 : i32
    %mul3A_1 = arith.constant 32768 : i32
    %mul3A_2 = arith.muli %add3A, %mul3A_1 : i32
    "tpu.region"() ({
      %run_scoped3A = tpu.sem_alloc : memref<!tpu.dma_semaphore, #tpu.memory_space<semaphore_mem>>
      tpu.enqueue_dma source(%arg2 : memref<16xf32, #tpu.memory_space<hbm>>) target(%arg10 : memref<16xf32, #tpu.memory_space<vmem>>) target_semaphore(%run_scoped3A : memref<!tpu.dma_semaphore, #tpu.memory_space<semaphore_mem>>)
      tpu.wait_dma2 semaphore(%run_scoped3A : memref<!tpu.dma_semaphore, #tpu.memory_space<semaphore_mem>>) src(%arg2 : memref<16xf32, #tpu.memory_space<hbm>>) dst(%arg10 : memref<16xf32, #tpu.memory_space<vmem>>)
      tpu.yield
    }) : () -> ()
    %get3A = arith.constant 0 : index
    %get3A_3 = tpu.vector_load %arg10[%get3A] {strides = array<i32>} : memref<16xf32, #tpu.memory_space<vmem>>, vector<16xf32>,
    %get3A_4 = vector.shape_cast %get3A_3 : vector<16xf32> to vector<16xf32>
    %add3A_5 = arith.constant 0.899999976 : f32
    %add3A_6 = vector.broadcast %add3A_5 : f32 to vector<16xf32>
    %add3A_7 = arith.addf %get3A_4, %add3A_6 : vector<16xf32>
    %convert_element_type3A = arith.fptosi %add3A_7 : vector<16xf32> to vector<16xi32>
    %convert_element_type3A_8 = arith.sitofp %convert_element_type3A : vector<16xi32> to vector<16xf32>
    %div3A = arith.constant 0.899999976 : f32
    %div3A_9 = vector.broadcast %div3A : f32 to vector<16xf32>
    %div3A_10 = arith.divf %convert_element_type3A_8, %div3A_9 : vector<16xf32>
    %add3A_11 = arith.constant 0 : i32
    %add3A_12 = arith.addi %mul3A_2, %add3A_11 : i32
    %dma_start3A = arith.constant 0 : i32
    %dma_start3A_13 = tpu.memref_slice %arg4[%add3A_12, %dma_start3A] : memref<1048576x32xf32, #tpu.memory_space<hbm>> -> memref<256x32xf32, #tpu.memory_space<hbm>>
    %dma_start3A_14 = arith.constant 0 : i32
    %dma_start3A_15 = tpu.memref_slice %arg4[%add3A_12, %dma_start3A_14] : memref<1048576x32xf32, #tpu.memory_space<hbm>> -> memref<256x32xf32, #tpu.memory_space<hbm>>
    tpu.enqueue_dma source(%dma_start3A_15 : memref<256x32xf32, #tpu.memory_space<hbm>>) target(%arg6 : memref<256x32xf32, #tpu.memory_space<vmem>>) target_semaphore(%arg11 : memref<!tpu.dma_semaphore, #tpu.memory_space<semaphore_mem>>)
    %dma_start3A_16 = tpu.memref_slice %arg3[%add3A_12] : memref<1048576xi32, #tpu.memory_space<hbm>> -> memref<256xi32, #tpu.memory_space<hbm>>
    %dma_start3A_17 = tpu.memref_slice %arg3[%add3A_12] : memref<1048576xi32, #tpu.memory_space<hbm>> -> memref<256xi32, #tpu.memory_space<hbm>>
    tpu.enqueue_dma source(%dma_start3A_17 : memref<256xi32, #tpu.memory_space<hbm>>) target(%arg8 : memref<256xi32, #tpu.memory_space<vmem>>) target_semaphore(%arg13 : memref<!tpu.dma_semaphore, #tpu.memory_space<semaphore_mem>>)
    %scan3A = arith.constant 0 : i32
    %scan3A_18 = arith.constant 0 : i32
    %scan3A_19 = arith.constant 64 : i32
    %scan3A_20 = arith.addi %scan3A_18, %scan3A_19 : i32
    %scan3A_21 = arith.constant 1 : i32
    %scan3A_22 = scf.for %scan3A_35 = %scan3A_18 to %scan3A_20 step %scan3A_21 iter_args(%scan3A_36 = %scan3A) -> (i32)  : i32 {
      %mul3A_37 = arith.constant 2 : i32
      %mul3A_38 = arith.muli %scan3A_35, %mul3A_37 : i32
      %add3A_39 = arith.constant 0 : i32
      %add3A_40 = arith.addi %mul3A_38, %add3A_39 : i32
      %dma_wait3A_41 = arith.constant 0 : i32
      %dma_wait3A_42 = arith.constant 0 : i32
      %dma_wait3A_43 = tpu.memref_slice %arg4[%dma_wait3A_41, %dma_wait3A_42] : memref<1048576x32xf32, #tpu.memory_space<hbm>> -> memref<256x32xf32, #tpu.memory_space<hbm>>
      %dma_wait3A_44 = arith.constant 0 : i32
      %dma_wait3A_45 = arith.constant 0 : i32
      %dma_wait3A_46 = tpu.memref_slice %arg4[%dma_wait3A_44, %dma_wait3A_45] : memref<1048576x32xf32, #tpu.memory_space<hbm>> -> memref<256x32xf32, #tpu.memory_space<hbm>>
      tpu.wait_dma2 semaphore(%arg11 : memref<!tpu.dma_semaphore, #tpu.memory_space<semaphore_mem>>) src(%dma_wait3A_46 : memref<256x32xf32, #tpu.memory_space<hbm>>) dst(%arg6 : memref<256x32xf32, #tpu.memory_space<vmem>>)
      %dma_wait3A_47 = arith.constant 0 : i32
      %dma_wait3A_48 = tpu.memref_slice %arg3[%dma_wait3A_47] : memref<1048576xi32, #tpu.memory_space<hbm>> -> memref<256xi32, #tpu.memory_space<hbm>>
      %dma_wait3A_49 = arith.constant 0 : i32
      %dma_wait3A_50 = tpu.memref_slice %arg3[%dma_wait3A_49] : memref<1048576xi32, #tpu.memory_space<hbm>> -> memref<256xi32, #tpu.memory_space<hbm>>
      tpu.wait_dma2 semaphore(%arg13 : memref<!tpu.dma_semaphore, #tpu.memory_space<semaphore_mem>>) src(%dma_wait3A_50 : memref<256xi32, #tpu.memory_space<hbm>>) dst(%arg8 : memref<256xi32, #tpu.memory_space<vmem>>)
      %add3A_51 = arith.constant 1 : i32
      %add3A_52 = arith.addi %add3A_40, %add3A_51 : i32
      %lt3A = arith.constant 128 : i32
      %lt3A_53 = arith.cmpi slt, %add3A_52, %lt3A : i32
      %convert_element_type3A_54 = arith.extui %lt3A_53 : i1 to i32
      %cond3A = arith.constant 0 : i32
      %cond3A_55 = arith.cmpi ne, %convert_element_type3A_54, %cond3A : i32
      scf.if %cond3A_55 {
        %ge3A = arith.constant 1 : i32
        %ge3A_119 = arith.cmpi sge, %add3A_40, %ge3A : i32
        %convert_element_type3A_120 = arith.extui %ge3A_119 : i1 to i32
        %cond3A_121 = arith.constant 0 : i32
        %cond3A_122 = arith.cmpi ne, %convert_element_type3A_120, %cond3A_121 : i32
        scf.if %cond3A_122 {
          %dma_wait3A_134 = arith.constant 0 : i32
          %dma_wait3A_135 = arith.constant 0 : i32
          %dma_wait3A_136 = tpu.memref_slice %arg5[%dma_wait3A_134, %dma_wait3A_135] : memref<1048576x32xf32, #tpu.memory_space<hbm>> -> memref<256x32xf32, #tpu.memory_space<hbm>>
          %dma_wait3A_137 = arith.constant 0 : i32
          %dma_wait3A_138 = arith.constant 0 : i32
          %dma_wait3A_139 = tpu.memref_slice %arg5[%dma_wait3A_137, %dma_wait3A_138] : memref<1048576x32xf32, #tpu.memory_space<hbm>> -> memref<256x32xf32, #tpu.memory_space<hbm>>
          tpu.wait_dma2 semaphore(%arg16 : memref<!tpu.dma_semaphore, #tpu.memory_space<semaphore_mem>>) src(%arg7 : memref<256x32xf32, #tpu.memory_space<vmem>>) dst(%dma_wait3A_139 : memref<256x32xf32, #tpu.memory_space<hbm>>)
        } else {
        }
        %add3A_123 = arith.constant 1 : i32
        %add3A_124 = arith.addi %add3A_40, %add3A_123 : i32
        %mul3A_125 = arith.constant 256 : i32
        %mul3A_126 = arith.muli %add3A_124, %mul3A_125 : i32
        %add3A_127 = arith.addi %mul3A_2, %mul3A_126 : i32
        %dma_start3A_128 = arith.constant 0 : i32
        %dma_start3A_129 = tpu.memref_slice %arg4[%add3A_127, %dma_start3A_128] : memref<1048576x32xf32, #tpu.memory_space<hbm>> -> memref<256x32xf32, #tpu.memory_space<hbm>>
        %dma_start3A_130 = arith.constant 0 : i32
        %dma_start3A_131 = tpu.memref_slice %arg4[%add3A_127, %dma_start3A_130] : memref<1048576x32xf32, #tpu.memory_space<hbm>> -> memref<256x32xf32, #tpu.memory_space<hbm>>
        tpu.enqueue_dma source(%dma_start3A_131 : memref<256x32xf32, #tpu.memory_space<hbm>>) target(%arg7 : memref<256x32xf32, #tpu.memory_space<vmem>>) target_semaphore(%arg12 : memref<!tpu.dma_semaphore, #tpu.memory_space<semaphore_mem>>)
        %dma_start3A_132 = tpu.memref_slice %arg3[%add3A_127] : memref<1048576xi32, #tpu.memory_space<hbm>> -> memref<256xi32, #tpu.memory_space<hbm>>
        %dma_start3A_133 = tpu.memref_slice %arg3[%add3A_127] : memref<1048576xi32, #tpu.memory_space<hbm>> -> memref<256xi32, #tpu.memory_space<hbm>>
        tpu.enqueue_dma source(%dma_start3A_133 : memref<256xi32, #tpu.memory_space<hbm>>) target(%arg9 : memref<256xi32, #tpu.memory_space<vmem>>) target_semaphore(%arg14 : memref<!tpu.dma_semaphore, #tpu.memory_space<semaphore_mem>>)
      } else {
      }
      %get3A_56 = arith.constant 0 : index
      %get3A_57 = tpu.vector_load %arg8[%get3A_56] {strides = array<i32>} : memref<256xi32, #tpu.memory_space<vmem>>, vector<16xi32>,
      %get3A_58 = vector.shape_cast %get3A_57 : vector<16xi32> to vector<16xi32>
      %get3A_59 = arith.constant 240 : index
      %get3A_60 = tpu.vector_load %arg8[%get3A_59] {strides = array<i32>} : memref<256xi32, #tpu.memory_space<vmem>>, vector<16xi32>,
      %get3A_61 = vector.shape_cast %get3A_60 : vector<16xi32> to vector<16xi32>
      %slice3A = vector.extract_strided_slice %get3A_58 {offsets = [0], sizes = [1], strides = [1]} : vector<16xi32> to vector<1xi32>
      %squeeze3A = vector.extract %slice3A[0] : i32 from vector<1xi32>
      %slice3A_62 = vector.extract_strided_slice %get3A_61 {offsets = [15], sizes = [1], strides = [1]} : vector<16xi32> to vector<1xi32>
      %squeeze3A_63 = vector.extract %slice3A_62[0] : i32 from vector<1xi32>
      %eq3A = arith.cmpi eq, %squeeze3A, %squeeze3A_63 : i32
      %convert_element_type3A_64 = arith.extui %eq3A : i1 to i32
      %cond3A_65 = arith.constant 0 : i32
      %cond3A_66 = arith.constant 0 : i32
      %cond3A_67 = arith.cmpi ne, %convert_element_type3A_64, %cond3A_66 : i32
      %cond3A_68 = scf.if %cond3A_67 -> (i32) {
        %broadcast_in_dim3A = vector.broadcast %squeeze3A : i32 to vector<16xi32>
        %lt3A_119 = arith.constant 0 : i32
        %lt3A_120 = vector.broadcast %lt3A_119 : i32 to vector<16xi32>
        %lt3A_121 = arith.cmpi slt, %broadcast_in_dim3A, %lt3A_120 : vector<16xi32>
        %add3A_122 = arith.constant 16 : i32
        %add3A_123 = vector.broadcast %add3A_122 : i32 to vector<16xi32>
        %add3A_124 = arith.addi %broadcast_in_dim3A, %add3A_123 : vector<16xi32>
        %select_n3A = arith.select %lt3A_121, %add3A_124, %broadcast_in_dim3A : vector<16xi1>, vector<16xi32>
        %broadcast_in_dim3A_125 = vector.shape_cast %select_n3A : vector<16xi32> to vector<16x1xi32>
        %gather3A = vector.shape_cast %broadcast_in_dim3A_125 : vector<16x1xi32> to vector<16xi32>
        %gather3A_126 = tpu.dynamic_gather %div3A_10[%gather3A] in [0] : vector<16xf32>, vector<16xi32> -> vector<16xf32>
        %scan3A_127 = arith.constant 0 : i32
        %scan3A_128 = arith.constant 0 : i32
        %scan3A_129 = arith.constant 32 : i32
        %scan3A_130 = arith.addi %scan3A_128, %scan3A_129 : i32
        %scan3A_131 = arith.constant 1 : i32
        %scan3A_132 = scf.for %scan3A_135 = %scan3A_128 to %scan3A_130 step %scan3A_131 iter_args(%scan3A_136 = %scan3A_127) -> (i32)  : i32 {
          %mul3A_137 = arith.constant 8 : i32
          %mul3A_138 = arith.muli %scan3A_135, %mul3A_137 : i32
          %add3A_139 = arith.constant 0 : i32
          %add3A_140 = arith.addi %mul3A_138, %add3A_139 : i32
          %get3A_141 = arith.index_cast %add3A_140 : i32 to index
          %get3A_142 = arith.constant 0 : index
          %get3A_143 = tpu.vector_load %arg6[%get3A_141, %get3A_142] {strides = array<i32>} : memref<256x32xf32, #tpu.memory_space<vmem>>, vector<1x16xf32>,
          %get3A_144 = vector.shape_cast %get3A_143 : vector<1x16xf32> to vector<16xf32>
          %mul3A_145 = arith.mulf %get3A_144, %gather3A_126 : vector<16xf32>
          %swap3A = arith.index_cast %add3A_140 : i32 to index
          %swap3A_146 = arith.constant 0 : index
          %swap3A_147 = tpu.vector_load %arg6[%swap3A, %swap3A_146] {strides = array<i32>} : memref<256x32xf32, #tpu.memory_space<vmem>>, vector<1x16xf32>,
          %swap3A_148 = vector.shape_cast %swap3A_147 : vector<1x16xf32> to vector<16xf32>
          %swap3A_149 = vector.shape_cast %mul3A_145 : vector<16xf32> to vector<1x16xf32>
          tpu.vector_store %arg6[%swap3A, %swap3A_146], %swap3A_149 {strides = array<i32>} : memref<256x32xf32, #tpu.memory_space<vmem>>, vector<1x16xf32>,
          %get3A_150 = arith.index_cast %add3A_140 : i32 to index
          %get3A_151 = arith.constant 16 : index
          %get3A_152 = tpu.vector_load %arg6[%get3A_150, %get3A_151] {strides = array<i32>} : memref<256x32xf32, #tpu.memory_space<vmem>>, vector<1x16xf32>,
          %get3A_153 = vector.shape_cast %get3A_152 : vector<1x16xf32> to vector<16xf32>
          %mul3A_154 = arith.mulf %get3A_153, %gather3A_126 : vector<16xf32>
          %swap3A_155 = arith.index_cast %add3A_140 : i32 to index
          %swap3A_156 = arith.constant 16 : index
          %swap3A_157 = tpu.vector_load %arg6[%swap3A_155, %swap3A_156] {strides = array<i32>} : memref<256x32xf32, #tpu.memory_space<vmem>>, vector<1x16xf32>,
          %swap3A_158 = vector.shape_cast %swap3A_157 : vector<1x16xf32> to vector<16xf32>
          %swap3A_159 = vector.shape_cast %mul3A_154 : vector<16xf32> to vector<1x16xf32>
          tpu.vector_store %arg6[%swap3A_155, %swap3A_156], %swap3A_159 {strides = array<i32>} : memref<256x32xf32, #tpu.memory_space<vmem>>, vector<1x16xf32>,
          %mul3A_160 = arith.constant 8 : i32
          %mul3A_161 = arith.muli %scan3A_135, %mul3A_160 : i32
          %add3A_162 = arith.constant 1 : i32
          %add3A_163 = arith.addi %mul3A_161, %add3A_162 : i32
          %get3A_164 = arith.index_cast %add3A_163 : i32 to index
          %get3A_165 = arith.constant 0 : index
          %get3A_166 = tpu.vector_load %arg6[%get3A_164, %get3A_165] {strides = array<i32>} : memref<256x32xf32, #tpu.memory_space<vmem>>, vector<1x16xf32>,
          %get3A_167 = vector.shape_cast %get3A_166 : vector<1x16xf32> to vector<16xf32>
          %mul3A_168 = arith.mulf %get3A_167, %gather3A_126 : vector<16xf32>
          %swap3A_169 = arith.index_cast %add3A_163 : i32 to index
          %swap3A_170 = arith.constant 0 : index
          %swap3A_171 = tpu.vector_load %arg6[%swap3A_169, %swap3A_170] {strides = array<i32>} : memref<256x32xf32, #tpu.memory_space<vmem>>, vector<1x16xf32>,
          %swap3A_172 = vector.shape_cast %swap3A_171 : vector<1x16xf32> to vector<16xf32>
          %swap3A_173 = vector.shape_cast %mul3A_168 : vector<16xf32> to vector<1x16xf32>
          tpu.vector_store %arg6[%swap3A_169, %swap3A_170], %swap3A_173 {strides = array<i32>} : memref<256x32xf32, #tpu.memory_space<vmem>>, vector<1x16xf32>,
          %get3A_174 = arith.index_cast %add3A_163 : i32 to index
          %get3A_175 = arith.constant 16 : index
          %get3A_176 = tpu.vector_load %arg6[%get3A_174, %get3A_175] {strides = array<i32>} : memref<256x32xf32, #tpu.memory_space<vmem>>, vector<1x16xf32>,
          %get3A_177 = vector.shape_cast %get3A_176 : vector<1x16xf32> to vector<16xf32>
          %mul3A_178 = arith.mulf %get3A_177, %gather3A_126 : vector<16xf32>
          %swap3A_179 = arith.index_cast %add3A_163 : i32 to index
          %swap3A_180 = arith.constant 16 : index
          %swap3A_181 = tpu.vector_load %arg6[%swap3A_179, %swap3A_180] {strides = array<i32>} : memref<256x32xf32, #tpu.memory_space<vmem>>, vector<1x16xf32>,
          %swap3A_182 = vector.shape_cast %swap3A_181 : vector<1x16xf32> to vector<16xf32>
          %swap3A_183 = vector.shape_cast %mul3A_178 : vector<16xf32> to vector<1x16xf32>
          tpu.vector_store %arg6[%swap3A_179, %swap3A_180], %swap3A_183 {strides = array<i32>} : memref<256x32xf32, #tpu.memory_space<vmem>>, vector<1x16xf32>,
          %mul3A_184 = arith.constant 8 : i32
          %mul3A_185 = arith.muli %scan3A_135, %mul3A_184 : i32
          %add3A_186 = arith.constant 2 : i32
          %add3A_187 = arith.addi %mul3A_185, %add3A_186 : i32
          %get3A_188 = arith.index_cast %add3A_187 : i32 to index
          %get3A_189 = arith.constant 0 : index
          %get3A_190 = tpu.vector_load %arg6[%get3A_188, %get3A_189] {strides = array<i32>} : memref<256x32xf32, #tpu.memory_space<vmem>>, vector<1x16xf32>,
          %get3A_191 = vector.shape_cast %get3A_190 : vector<1x16xf32> to vector<16xf32>
          %mul3A_192 = arith.mulf %get3A_191, %gather3A_126 : vector<16xf32>
          %swap3A_193 = arith.index_cast %add3A_187 : i32 to index
          %swap3A_194 = arith.constant 0 : index
          %swap3A_195 = tpu.vector_load %arg6[%swap3A_193, %swap3A_194] {strides = array<i32>} : memref<256x32xf32, #tpu.memory_space<vmem>>, vector<1x16xf32>,
          %swap3A_196 = vector.shape_cast %swap3A_195 : vector<1x16xf32> to vector<16xf32>
          %swap3A_197 = vector.shape_cast %mul3A_192 : vector<16xf32> to vector<1x16xf32>
          tpu.vector_store %arg6[%swap3A_193, %swap3A_194], %swap3A_197 {strides = array<i32>} : memref<256x32xf32, #tpu.memory_space<vmem>>, vector<1x16xf32>,
          %get3A_198 = arith.index_cast %add3A_187 : i32 to index
          %get3A_199 = arith.constant 16 : index
          %get3A_200 = tpu.vector_load %arg6[%get3A_198, %get3A_199] {strides = array<i32>} : memref<256x32xf32, #tpu.memory_space<vmem>>, vector<1x16xf32>,
          %get3A_201 = vector.shape_cast %get3A_200 : vector<1x16xf32> to vector<16xf32>
          %mul3A_202 = arith.mulf %get3A_201, %gather3A_126 : vector<16xf32>
          %swap3A_203 = arith.index_cast %add3A_187 : i32 to index
          %swap3A_204 = arith.constant 16 : index
          %swap3A_205 = tpu.vector_load %arg6[%swap3A_203, %swap3A_204] {strides = array<i32>} : memref<256x32xf32, #tpu.memory_space<vmem>>, vector<1x16xf32>,
          %swap3A_206 = vector.shape_cast %swap3A_205 : vector<1x16xf32> to vector<16xf32>
          %swap3A_207 = vector.shape_cast %mul3A_202 : vector<16xf32> to vector<1x16xf32>
          tpu.vector_store %arg6[%swap3A_203, %swap3A_204], %swap3A_207 {strides = array<i32>} : memref<256x32xf32, #tpu.memory_space<vmem>>, vector<1x16xf32>,
          %mul3A_208 = arith.constant 8 : i32
          %mul3A_209 = arith.muli %scan3A_135, %mul3A_208 : i32
          %add3A_210 = arith.constant 3 : i32
          %add3A_211 = arith.addi %mul3A_209, %add3A_210 : i32
          %get3A_212 = arith.index_cast %add3A_211 : i32 to index
          %get3A_213 = arith.constant 0 : index
          %get3A_214 = tpu.vector_load %arg6[%get3A_212, %get3A_213] {strides = array<i32>} : memref<256x32xf32, #tpu.memory_space<vmem>>, vector<1x16xf32>,
          %get3A_215 = vector.shape_cast %get3A_214 : vector<1x16xf32> to vector<16xf32>
          %mul3A_216 = arith.mulf %get3A_215, %gather3A_126 : vector<16xf32>
          %swap3A_217 = arith.index_cast %add3A_211 : i32 to index
          %swap3A_218 = arith.constant 0 : index
          %swap3A_219 = tpu.vector_load %arg6[%swap3A_217, %swap3A_218] {strides = array<i32>} : memref<256x32xf32, #tpu.memory_space<vmem>>, vector<1x16xf32>,
          %swap3A_220 = vector.shape_cast %swap3A_219 : vector<1x16xf32> to vector<16xf32>
          %swap3A_221 = vector.shape_cast %mul3A_216 : vector<16xf32> to vector<1x16xf32>
          tpu.vector_store %arg6[%swap3A_217, %swap3A_218], %swap3A_221 {strides = array<i32>} : memref<256x32xf32, #tpu.memory_space<vmem>>, vector<1x16xf32>,
          %get3A_222 = arith.index_cast %add3A_211 : i32 to index
          %get3A_223 = arith.constant 16 : index
          %get3A_224 = tpu.vector_load %arg6[%get3A_222, %get3A_223] {strides = array<i32>} : memref<256x32xf32, #tpu.memory_space<vmem>>, vector<1x16xf32>,
          %get3A_225 = vector.shape_cast %get3A_224 : vector<1x16xf32> to vector<16xf32>
          %mul3A_226 = arith.mulf %get3A_225, %gather3A_126 : vector<16xf32>
          %swap3A_227 = arith.index_cast %add3A_211 : i32 to index
          %swap3A_228 = arith.constant 16 : index
          %swap3A_229 = tpu.vector_load %arg6[%swap3A_227, %swap3A_228] {strides = array<i32>} : memref<256x32xf32, #tpu.memory_space<vmem>>, vector<1x16xf32>,
          %swap3A_230 = vector.shape_cast %swap3A_229 : vector<1x16xf32> to vector<16xf32>
          %swap3A_231 = vector.shape_cast %mul3A_226 : vector<16xf32> to vector<1x16xf32>
          tpu.vector_store %arg6[%swap3A_227, %swap3A_228], %swap3A_231 {strides = array<i32>} : memref<256x32xf32, #tpu.memory_space<vmem>>, vector<1x16xf32>,
          %mul3A_232 = arith.constant 8 : i32
          %mul3A_233 = arith.muli %scan3A_135, %mul3A_232 : i32
          %add3A_234 = arith.constant 4 : i32
          %add3A_235 = arith.addi %mul3A_233, %add3A_234 : i32
          %get3A_236 = arith.index_cast %add3A_235 : i32 to index
          %get3A_237 = arith.constant 0 : index
          %get3A_238 = tpu.vector_load %arg6[%get3A_236, %get3A_237] {strides = array<i32>} : memref<256x32xf32, #tpu.memory_space<vmem>>, vector<1x16xf32>,
          %get3A_239 = vector.shape_cast %get3A_238 : vector<1x16xf32> to vector<16xf32>
          %mul3A_240 = arith.mulf %get3A_239, %gather3A_126 : vector<16xf32>
          %swap3A_241 = arith.index_cast %add3A_235 : i32 to index
          %swap3A_242 = arith.constant 0 : index
          %swap3A_243 = tpu.vector_load %arg6[%swap3A_241, %swap3A_242] {strides = array<i32>} : memref<256x32xf32, #tpu.memory_space<vmem>>, vector<1x16xf32>,
          %swap3A_244 = vector.shape_cast %swap3A_243 : vector<1x16xf32> to vector<16xf32>
          %swap3A_245 = vector.shape_cast %mul3A_240 : vector<16xf32> to vector<1x16xf32>
          tpu.vector_store %arg6[%swap3A_241, %swap3A_242], %swap3A_245 {strides = array<i32>} : memref<256x32xf32, #tpu.memory_space<vmem>>, vector<1x16xf32>,
          %get3A_246 = arith.index_cast %add3A_235 : i32 to index
          %get3A_247 = arith.constant 16 : index
          %get3A_248 = tpu.vector_load %arg6[%get3A_246, %get3A_247] {strides = array<i32>} : memref<256x32xf32, #tpu.memory_space<vmem>>, vector<1x16xf32>,
          %get3A_249 = vector.shape_cast %get3A_248 : vector<1x16xf32> to vector<16xf32>
          %mul3A_250 = arith.mulf %get3A_249, %gather3A_126 : vector<16xf32>
          %swap3A_251 = arith.index_cast %add3A_235 : i32 to index
          %swap3A_252 = arith.constant 16 : index
          %swap3A_253 = tpu.vector_load %arg6[%swap3A_251, %swap3A_252] {strides = array<i32>} : memref<256x32xf32, #tpu.memory_space<vmem>>, vector<1x16xf32>,
          %swap3A_254 = vector.shape_cast %swap3A_253 : vector<1x16xf32> to vector<16xf32>
          %swap3A_255 = vector.shape_cast %mul3A_250 : vector<16xf32> to vector<1x16xf32>
          tpu.vector_store %arg6[%swap3A_251, %swap3A_252], %swap3A_255 {strides = array<i32>} : memref<256x32xf32, #tpu.memory_space<vmem>>, vector<1x16xf32>,
          %mul3A_256 = arith.constant 8 : i32
          %mul3A_257 = arith.muli %scan3A_135, %mul3A_256 : i32
          %add3A_258 = arith.constant 5 : i32
          %add3A_259 = arith.addi %mul3A_257, %add3A_258 : i32
          %get3A_260 = arith.index_cast %add3A_259 : i32 to index
          %get3A_261 = arith.constant 0 : index
          %get3A_262 = tpu.vector_load %arg6[%get3A_260, %get3A_261] {strides = array<i32>} : memref<256x32xf32, #tpu.memory_space<vmem>>, vector<1x16xf32>,
          %get3A_263 = vector.shape_cast %get3A_262 : vector<1x16xf32> to vector<16xf32>
          %mul3A_264 = arith.mulf %get3A_263, %gather3A_126 : vector<16xf32>
          %swap3A_265 = arith.index_cast %add3A_259 : i32 to index
          %swap3A_266 = arith.constant 0 : index
          %swap3A_267 = tpu.vector_load %arg6[%swap3A_265, %swap3A_266] {strides = array<i32>} : memref<256x32xf32, #tpu.memory_space<vmem>>, vector<1x16xf32>,
          %swap3A_268 = vector.shape_cast %swap3A_267 : vector<1x16xf32> to vector<16xf32>
          %swap3A_269 = vector.shape_cast %mul3A_264 : vector<16xf32> to vector<1x16xf32>
          tpu.vector_store %arg6[%swap3A_265, %swap3A_266], %swap3A_269 {strides = array<i32>} : memref<256x32xf32, #tpu.memory_space<vmem>>, vector<1x16xf32>,
          %get3A_270 = arith.index_cast %add3A_259 : i32 to index
          %get3A_271 = arith.constant 16 : index
          %get3A_272 = tpu.vector_load %arg6[%get3A_270, %get3A_271] {strides = array<i32>} : memref<256x32xf32, #tpu.memory_space<vmem>>, vector<1x16xf32>,
          %get3A_273 = vector.shape_cast %get3A_272 : vector<1x16xf32> to vector<16xf32>
          %mul3A_274 = arith.mulf %get3A_273, %gather3A_126 : vector<16xf32>
          %swap3A_275 = arith.index_cast %add3A_259 : i32 to index
          %swap3A_276 = arith.constant 16 : index
          %swap3A_277 = tpu.vector_load %arg6[%swap3A_275, %swap3A_276] {strides = array<i32>} : memref<256x32xf32, #tpu.memory_space<vmem>>, vector<1x16xf32>,
          %swap3A_278 = vector.shape_cast %swap3A_277 : vector<1x16xf32> to vector<16xf32>
          %swap3A_279 = vector.shape_cast %mul3A_274 : vector<16xf32> to vector<1x16xf32>
          tpu.vector_store %arg6[%swap3A_275, %swap3A_276], %swap3A_279 {strides = array<i32>} : memref<256x32xf32, #tpu.memory_space<vmem>>, vector<1x16xf32>,
          %mul3A_280 = arith.constant 8 : i32
          %mul3A_281 = arith.muli %scan3A_135, %mul3A_280 : i32
          %add3A_282 = arith.constant 6 : i32
          %add3A_283 = arith.addi %mul3A_281, %add3A_282 : i32
          %get3A_284 = arith.index_cast %add3A_283 : i32 to index
          %get3A_285 = arith.constant 0 : index
          %get3A_286 = tpu.vector_load %arg6[%get3A_284, %get3A_285] {strides = array<i32>} : memref<256x32xf32, #tpu.memory_space<vmem>>, vector<1x16xf32>,
          %get3A_287 = vector.shape_cast %get3A_286 : vector<1x16xf32> to vector<16xf32>
          %mul3A_288 = arith.mulf %get3A_287, %gather3A_126 : vector<16xf32>
          %swap3A_289 = arith.index_cast %add3A_283 : i32 to index
          %swap3A_290 = arith.constant 0 : index
          %swap3A_291 = tpu.vector_load %arg6[%swap3A_289, %swap3A_290] {strides = array<i32>} : memref<256x32xf32, #tpu.memory_space<vmem>>, vector<1x16xf32>,
          %swap3A_292 = vector.shape_cast %swap3A_291 : vector<1x16xf32> to vector<16xf32>
          %swap3A_293 = vector.shape_cast %mul3A_288 : vector<16xf32> to vector<1x16xf32>
          tpu.vector_store %arg6[%swap3A_289, %swap3A_290], %swap3A_293 {strides = array<i32>} : memref<256x32xf32, #tpu.memory_space<vmem>>, vector<1x16xf32>,
          %get3A_294 = arith.index_cast %add3A_283 : i32 to index
          %get3A_295 = arith.constant 16 : index
          %get3A_296 = tpu.vector_load %arg6[%get3A_294, %get3A_295] {strides = array<i32>} : memref<256x32xf32, #tpu.memory_space<vmem>>, vector<1x16xf32>,
          %get3A_297 = vector.shape_cast %get3A_296 : vector<1x16xf32> to vector<16xf32>
          %mul3A_298 = arith.mulf %get3A_297, %gather3A_126 : vector<16xf32>
          %swap3A_299 = arith.index_cast %add3A_283 : i32 to index
          %swap3A_300 = arith.constant 16 : index
          %swap3A_301 = tpu.vector_load %arg6[%swap3A_299, %swap3A_300] {strides = array<i32>} : memref<256x32xf32, #tpu.memory_space<vmem>>, vector<1x16xf32>,
          %swap3A_302 = vector.shape_cast %swap3A_301 : vector<1x16xf32> to vector<16xf32>
          %swap3A_303 = vector.shape_cast %mul3A_298 : vector<16xf32> to vector<1x16xf32>
          tpu.vector_store %arg6[%swap3A_299, %swap3A_300], %swap3A_303 {strides = array<i32>} : memref<256x32xf32, #tpu.memory_space<vmem>>, vector<1x16xf32>,
          %mul3A_304 = arith.constant 8 : i32
          %mul3A_305 = arith.muli %scan3A_135, %mul3A_304 : i32
          %add3A_306 = arith.constant 7 : i32
          %add3A_307 = arith.addi %mul3A_305, %add3A_306 : i32
          %get3A_308 = arith.index_cast %add3A_307 : i32 to index
          %get3A_309 = arith.constant 0 : index
          %get3A_310 = tpu.vector_load %arg6[%get3A_308, %get3A_309] {strides = array<i32>} : memref<256x32xf32, #tpu.memory_space<vmem>>, vector<1x16xf32>,
          %get3A_311 = vector.shape_cast %get3A_310 : vector<1x16xf32> to vector<16xf32>
          %mul3A_312 = arith.mulf %get3A_311, %gather3A_126 : vector<16xf32>
          %swap3A_313 = arith.index_cast %add3A_307 : i32 to index
          %swap3A_314 = arith.constant 0 : index
          %swap3A_315 = tpu.vector_load %arg6[%swap3A_313, %swap3A_314] {strides = array<i32>} : memref<256x32xf32, #tpu.memory_space<vmem>>, vector<1x16xf32>,
          %swap3A_316 = vector.shape_cast %swap3A_315 : vector<1x16xf32> to vector<16xf32>
          %swap3A_317 = vector.shape_cast %mul3A_312 : vector<16xf32> to vector<1x16xf32>
          tpu.vector_store %arg6[%swap3A_313, %swap3A_314], %swap3A_317 {strides = array<i32>} : memref<256x32xf32, #tpu.memory_space<vmem>>, vector<1x16xf32>,
          %get3A_318 = arith.index_cast %add3A_307 : i32 to index
          %get3A_319 = arith.constant 16 : index
          %get3A_320 = tpu.vector_load %arg6[%get3A_318, %get3A_319] {strides = array<i32>} : memref<256x32xf32, #tpu.memory_space<vmem>>, vector<1x16xf32>,
          %get3A_321 = vector.shape_cast %get3A_320 : vector<1x16xf32> to vector<16xf32>
          %mul3A_322 = arith.mulf %get3A_321, %gather3A_126 : vector<16xf32>
          %swap3A_323 = arith.index_cast %add3A_307 : i32 to index
          %swap3A_324 = arith.constant 16 : index
          %swap3A_325 = tpu.vector_load %arg6[%swap3A_323, %swap3A_324] {strides = array<i32>} : memref<256x32xf32, #tpu.memory_space<vmem>>, vector<1x16xf32>,
          %swap3A_326 = vector.shape_cast %swap3A_325 : vector<1x16xf32> to vector<16xf32>
          %swap3A_327 = vector.shape_cast %mul3A_322 : vector<16xf32> to vector<1x16xf32>
          tpu.vector_store %arg6[%swap3A_323, %swap3A_324], %swap3A_327 {strides = array<i32>} : memref<256x32xf32, #tpu.memory_space<vmem>>, vector<1x16xf32>,
          %scan3A_328 = arith.constant 0 : i32
          scf.yield %scan3A_328 : i32
        }
        %scan3A_133 = arith.constant 32 : i32
        %cond3A_134 = arith.constant 0 : i32
        scf.yield %cond3A_134 : i32
      } else {
        %scan3A_119 = arith.constant 0 : i32
        %scan3A_120 = arith.constant 0 : i32
        %scan3A_121 = arith.constant 16 : i32
        %scan3A_122 = arith.addi %scan3A_120, %scan3A_121 : i32
        %scan3A_123 = arith.constant 1 : i32
        %scan3A_124 = scf.for %scan3A_127 = %scan3A_120 to %scan3A_122 step %scan3A_123 iter_args(%scan3A_128 = %scan3A_119) -> (i32)  : i32 {
          %mul3A_129 = arith.constant 16 : i32
          %mul3A_130 = arith.muli %scan3A_127, %mul3A_129 : i32
          %get3A_131 = arith.index_cast %mul3A_130 : i32 to index
          %get3A_132 = tpu.vector_load %arg8[%get3A_131] {strides = array<i32>} : memref<256xi32, #tpu.memory_space<vmem>>, vector<16xi32>,
          %get3A_133 = vector.shape_cast %get3A_132 : vector<16xi32> to vector<16xi32>
          %lt3A_134 = arith.constant 0 : i32
          %lt3A_135 = vector.broadcast %lt3A_134 : i32 to vector<16xi32>
          %lt3A_136 = arith.cmpi slt, %get3A_133, %lt3A_135 : vector<16xi32>
          %add3A_137 = arith.constant 16 : i32
          %add3A_138 = vector.broadcast %add3A_137 : i32 to vector<16xi32>
          %add3A_139 = arith.addi %get3A_133, %add3A_138 : vector<16xi32>
          %select_n3A = arith.select %lt3A_136, %add3A_139, %get3A_133 : vector<16xi1>, vector<16xi32>
          %broadcast_in_dim3A = vector.shape_cast %select_n3A : vector<16xi32> to vector<16x1xi32>
          %gather3A = vector.shape_cast %broadcast_in_dim3A : vector<16x1xi32> to vector<16xi32>
          %gather3A_140 = tpu.dynamic_gather %div3A_10[%gather3A] in [0] : vector<16xf32>, vector<16xi32> -> vector<16xf32>
          %slice3A_141 = vector.extract_strided_slice %gather3A_140 {offsets = [0], sizes = [1], strides = [1]} : vector<16xf32> to vector<1xf32>
          %squeeze3A_142 = vector.extract %slice3A_141[0] : f32 from vector<1xf32>
          %add3A_143 = arith.constant 0 : i32
          %add3A_144 = arith.addi %mul3A_130, %add3A_143 : i32
          %get3A_145 = arith.index_cast %add3A_144 : i32 to index
          %get3A_146 = arith.constant 0 : index
          %get3A_147 = tpu.vector_load %arg6[%get3A_145, %get3A_146] {strides = array<i32>} : memref<256x32xf32, #tpu.memory_space<vmem>>, vector<1x16xf32>,
          %get3A_148 = vector.shape_cast %get3A_147 : vector<1x16xf32> to vector<16xf32>
          %mul3A_149 = vector.broadcast %squeeze3A_142 : f32 to vector<16xf32>
          %mul3A_150 = arith.mulf %get3A_148, %mul3A_149 : vector<16xf32>
          %swap3A = arith.index_cast %add3A_144 : i32 to index
          %swap3A_151 = arith.constant 0 : index
          %swap3A_152 = tpu.vector_load %arg6[%swap3A, %swap3A_151] {strides = array<i32>} : memref<256x32xf32, #tpu.memory_space<vmem>>, vector<1x16xf32>,
          %swap3A_153 = vector.shape_cast %swap3A_152 : vector<1x16xf32> to vector<16xf32>
          %swap3A_154 = vector.shape_cast %mul3A_150 : vector<16xf32> to vector<1x16xf32>
          tpu.vector_store %arg6[%swap3A, %swap3A_151], %swap3A_154 {strides = array<i32>} : memref<256x32xf32, #tpu.memory_space<vmem>>, vector<1x16xf32>,
          %get3A_155 = arith.index_cast %add3A_144 : i32 to index
          %get3A_156 = arith.constant 16 : index
          %get3A_157 = tpu.vector_load %arg6[%get3A_155, %get3A_156] {strides = array<i32>} : memref<256x32xf32, #tpu.memory_space<vmem>>, vector<1x16xf32>,
          %get3A_158 = vector.shape_cast %get3A_157 : vector<1x16xf32> to vector<16xf32>
          %mul3A_159 = vector.broadcast %squeeze3A_142 : f32 to vector<16xf32>
          %mul3A_160 = arith.mulf %get3A_158, %mul3A_159 : vector<16xf32>
          %swap3A_161 = arith.index_cast %add3A_144 : i32 to index
          %swap3A_162 = arith.constant 16 : index
          %swap3A_163 = tpu.vector_load %arg6[%swap3A_161, %swap3A_162] {strides = array<i32>} : memref<256x32xf32, #tpu.memory_space<vmem>>, vector<1x16xf32>,
          %swap3A_164 = vector.shape_cast %swap3A_163 : vector<1x16xf32> to vector<16xf32>
          %swap3A_165 = vector.shape_cast %mul3A_160 : vector<16xf32> to vector<1x16xf32>
          tpu.vector_store %arg6[%swap3A_161, %swap3A_162], %swap3A_165 {strides = array<i32>} : memref<256x32xf32, #tpu.memory_space<vmem>>, vector<1x16xf32>,
          %slice3A_166 = vector.extract_strided_slice %gather3A_140 {offsets = [1], sizes = [1], strides = [1]} : vector<16xf32> to vector<1xf32>
          %squeeze3A_167 = vector.extract %slice3A_166[0] : f32 from vector<1xf32>
          %add3A_168 = arith.constant 1 : i32
          %add3A_169 = arith.addi %mul3A_130, %add3A_168 : i32
          %get3A_170 = arith.index_cast %add3A_169 : i32 to index
          %get3A_171 = arith.constant 0 : index
          %get3A_172 = tpu.vector_load %arg6[%get3A_170, %get3A_171] {strides = array<i32>} : memref<256x32xf32, #tpu.memory_space<vmem>>, vector<1x16xf32>,
          %get3A_173 = vector.shape_cast %get3A_172 : vector<1x16xf32> to vector<16xf32>
          %mul3A_174 = vector.broadcast %squeeze3A_167 : f32 to vector<16xf32>
          %mul3A_175 = arith.mulf %get3A_173, %mul3A_174 : vector<16xf32>
          %swap3A_176 = arith.index_cast %add3A_169 : i32 to index
          %swap3A_177 = arith.constant 0 : index
          %swap3A_178 = tpu.vector_load %arg6[%swap3A_176, %swap3A_177] {strides = array<i32>} : memref<256x32xf32, #tpu.memory_space<vmem>>, vector<1x16xf32>,
          %swap3A_179 = vector.shape_cast %swap3A_178 : vector<1x16xf32> to vector<16xf32>
          %swap3A_180 = vector.shape_cast %mul3A_175 : vector<16xf32> to vector<1x16xf32>
          tpu.vector_store %arg6[%swap3A_176, %swap3A_177], %swap3A_180 {strides = array<i32>} : memref<256x32xf32, #tpu.memory_space<vmem>>, vector<1x16xf32>,
          %get3A_181 = arith.index_cast %add3A_169 : i32 to index
          %get3A_182 = arith.constant 16 : index
          %get3A_183 = tpu.vector_load %arg6[%get3A_181, %get3A_182] {strides = array<i32>} : memref<256x32xf32, #tpu.memory_space<vmem>>, vector<1x16xf32>,
          %get3A_184 = vector.shape_cast %get3A_183 : vector<1x16xf32> to vector<16xf32>
          %mul3A_185 = vector.broadcast %squeeze3A_167 : f32 to vector<16xf32>
          %mul3A_186 = arith.mulf %get3A_184, %mul3A_185 : vector<16xf32>
          %swap3A_187 = arith.index_cast %add3A_169 : i32 to index
          %swap3A_188 = arith.constant 16 : index
          %swap3A_189 = tpu.vector_load %arg6[%swap3A_187, %swap3A_188] {strides = array<i32>} : memref<256x32xf32, #tpu.memory_space<vmem>>, vector<1x16xf32>,
          %swap3A_190 = vector.shape_cast %swap3A_189 : vector<1x16xf32> to vector<16xf32>
          %swap3A_191 = vector.shape_cast %mul3A_186 : vector<16xf32> to vector<1x16xf32>
          tpu.vector_store %arg6[%swap3A_187, %swap3A_188], %swap3A_191 {strides = array<i32>} : memref<256x32xf32, #tpu.memory_space<vmem>>, vector<1x16xf32>,
          %slice3A_192 = vector.extract_strided_slice %gather3A_140 {offsets = [2], sizes = [1], strides = [1]} : vector<16xf32> to vector<1xf32>
          %squeeze3A_193 = vector.extract %slice3A_192[0] : f32 from vector<1xf32>
          %add3A_194 = arith.constant 2 : i32
          %add3A_195 = arith.addi %mul3A_130, %add3A_194 : i32
          %get3A_196 = arith.index_cast %add3A_195 : i32 to index
          %get3A_197 = arith.constant 0 : index
          %get3A_198 = tpu.vector_load %arg6[%get3A_196, %get3A_197] {strides = array<i32>} : memref<256x32xf32, #tpu.memory_space<vmem>>, vector<1x16xf32>,
          %get3A_199 = vector.shape_cast %get3A_198 : vector<1x16xf32> to vector<16xf32>
          %mul3A_200 = vector.broadcast %squeeze3A_193 : f32 to vector<16xf32>
          %mul3A_201 = arith.mulf %get3A_199, %mul3A_200 : vector<16xf32>
          %swap3A_202 = arith.index_cast %add3A_195 : i32 to index
          %swap3A_203 = arith.constant 0 : index
          %swap3A_204 = tpu.vector_load %arg6[%swap3A_202, %swap3A_203] {strides = array<i32>} : memref<256x32xf32, #tpu.memory_space<vmem>>, vector<1x16xf32>,
          %swap3A_205 = vector.shape_cast %swap3A_204 : vector<1x16xf32> to vector<16xf32>
          %swap3A_206 = vector.shape_cast %mul3A_201 : vector<16xf32> to vector<1x16xf32>
          tpu.vector_store %arg6[%swap3A_202, %swap3A_203], %swap3A_206 {strides = array<i32>} : memref<256x32xf32, #tpu.memory_space<vmem>>, vector<1x16xf32>,
          %get3A_207 = arith.index_cast %add3A_195 : i32 to index
          %get3A_208 = arith.constant 16 : index
          %get3A_209 = tpu.vector_load %arg6[%get3A_207, %get3A_208] {strides = array<i32>} : memref<256x32xf32, #tpu.memory_space<vmem>>, vector<1x16xf32>,
          %get3A_210 = vector.shape_cast %get3A_209 : vector<1x16xf32> to vector<16xf32>
          %mul3A_211 = vector.broadcast %squeeze3A_193 : f32 to vector<16xf32>
          %mul3A_212 = arith.mulf %get3A_210, %mul3A_211 : vector<16xf32>
          %swap3A_213 = arith.index_cast %add3A_195 : i32 to index
          %swap3A_214 = arith.constant 16 : index
          %swap3A_215 = tpu.vector_load %arg6[%swap3A_213, %swap3A_214] {strides = array<i32>} : memref<256x32xf32, #tpu.memory_space<vmem>>, vector<1x16xf32>,
          %swap3A_216 = vector.shape_cast %swap3A_215 : vector<1x16xf32> to vector<16xf32>
          %swap3A_217 = vector.shape_cast %mul3A_212 : vector<16xf32> to vector<1x16xf32>
          tpu.vector_store %arg6[%swap3A_213, %swap3A_214], %swap3A_217 {strides = array<i32>} : memref<256x32xf32, #tpu.memory_space<vmem>>, vector<1x16xf32>,
          %slice3A_218 = vector.extract_strided_slice %gather3A_140 {offsets = [3], sizes = [1], strides = [1]} : vector<16xf32> to vector<1xf32>
          %squeeze3A_219 = vector.extract %slice3A_218[0] : f32 from vector<1xf32>
          %add3A_220 = arith.constant 3 : i32
          %add3A_221 = arith.addi %mul3A_130, %add3A_220 : i32
          %get3A_222 = arith.index_cast %add3A_221 : i32 to index
          %get3A_223 = arith.constant 0 : index
          %get3A_224 = tpu.vector_load %arg6[%get3A_222, %get3A_223] {strides = array<i32>} : memref<256x32xf32, #tpu.memory_space<vmem>>, vector<1x16xf32>,
          %get3A_225 = vector.shape_cast %get3A_224 : vector<1x16xf32> to vector<16xf32>
          %mul3A_226 = vector.broadcast %squeeze3A_219 : f32 to vector<16xf32>
          %mul3A_227 = arith.mulf %get3A_225, %mul3A_226 : vector<16xf32>
          %swap3A_228 = arith.index_cast %add3A_221 : i32 to index
          %swap3A_229 = arith.constant 0 : index
          %swap3A_230 = tpu.vector_load %arg6[%swap3A_228, %swap3A_229] {strides = array<i32>} : memref<256x32xf32, #tpu.memory_space<vmem>>, vector<1x16xf32>,
          %swap3A_231 = vector.shape_cast %swap3A_230 : vector<1x16xf32> to vector<16xf32>
          %swap3A_232 = vector.shape_cast %mul3A_227 : vector<16xf32> to vector<1x16xf32>
          tpu.vector_store %arg6[%swap3A_228, %swap3A_229], %swap3A_232 {strides = array<i32>} : memref<256x32xf32, #tpu.memory_space<vmem>>, vector<1x16xf32>,
          %get3A_233 = arith.index_cast %add3A_221 : i32 to index
          %get3A_234 = arith.constant 16 : index
          %get3A_235 = tpu.vector_load %arg6[%get3A_233, %get3A_234] {strides = array<i32>} : memref<256x32xf32, #tpu.memory_space<vmem>>, vector<1x16xf32>,
          %get3A_236 = vector.shape_cast %get3A_235 : vector<1x16xf32> to vector<16xf32>
          %mul3A_237 = vector.broadcast %squeeze3A_219 : f32 to vector<16xf32>
          %mul3A_238 = arith.mulf %get3A_236, %mul3A_237 : vector<16xf32>
          %swap3A_239 = arith.index_cast %add3A_221 : i32 to index
          %swap3A_240 = arith.constant 16 : index
          %swap3A_241 = tpu.vector_load %arg6[%swap3A_239, %swap3A_240] {strides = array<i32>} : memref<256x32xf32, #tpu.memory_space<vmem>>, vector<1x16xf32>,
          %swap3A_242 = vector.shape_cast %swap3A_241 : vector<1x16xf32> to vector<16xf32>
          %swap3A_243 = vector.shape_cast %mul3A_238 : vector<16xf32> to vector<1x16xf32>
          tpu.vector_store %arg6[%swap3A_239, %swap3A_240], %swap3A_243 {strides = array<i32>} : memref<256x32xf32, #tpu.memory_space<vmem>>, vector<1x16xf32>,
          %slice3A_244 = vector.extract_strided_slice %gather3A_140 {offsets = [4], sizes = [1], strides = [1]} : vector<16xf32> to vector<1xf32>
          %squeeze3A_245 = vector.extract %slice3A_244[0] : f32 from vector<1xf32>
          %add3A_246 = arith.constant 4 : i32
          %add3A_247 = arith.addi %mul3A_130, %add3A_246 : i32
          %get3A_248 = arith.index_cast %add3A_247 : i32 to index
          %get3A_249 = arith.constant 0 : index
          %get3A_250 = tpu.vector_load %arg6[%get3A_248, %get3A_249] {strides = array<i32>} : memref<256x32xf32, #tpu.memory_space<vmem>>, vector<1x16xf32>,
          %get3A_251 = vector.shape_cast %get3A_250 : vector<1x16xf32> to vector<16xf32>
          %mul3A_252 = vector.broadcast %squeeze3A_245 : f32 to vector<16xf32>
          %mul3A_253 = arith.mulf %get3A_251, %mul3A_252 : vector<16xf32>
          %swap3A_254 = arith.index_cast %add3A_247 : i32 to index
          %swap3A_255 = arith.constant 0 : index
          %swap3A_256 = tpu.vector_load %arg6[%swap3A_254, %swap3A_255] {strides = array<i32>} : memref<256x32xf32, #tpu.memory_space<vmem>>, vector<1x16xf32>,
          %swap3A_257 = vector.shape_cast %swap3A_256 : vector<1x16xf32> to vector<16xf32>
          %swap3A_258 = vector.shape_cast %mul3A_253 : vector<16xf32> to vector<1x16xf32>
          tpu.vector_store %arg6[%swap3A_254, %swap3A_255], %swap3A_258 {strides = array<i32>} : memref<256x32xf32, #tpu.memory_space<vmem>>, vector<1x16xf32>,
          %get3A_259 = arith.index_cast %add3A_247 : i32 to index
          %get3A_260 = arith.constant 16 : index
          %get3A_261 = tpu.vector_load %arg6[%get3A_259, %get3A_260] {strides = array<i32>} : memref<256x32xf32, #tpu.memory_space<vmem>>, vector<1x16xf32>,
          %get3A_262 = vector.shape_cast %get3A_261 : vector<1x16xf32> to vector<16xf32>
          %mul3A_263 = vector.broadcast %squeeze3A_245 : f32 to vector<16xf32>
          %mul3A_264 = arith.mulf %get3A_262, %mul3A_263 : vector<16xf32>
          %swap3A_265 = arith.index_cast %add3A_247 : i32 to index
          %swap3A_266 = arith.constant 16 : index
          %swap3A_267 = tpu.vector_load %arg6[%swap3A_265, %swap3A_266] {strides = array<i32>} : memref<256x32xf32, #tpu.memory_space<vmem>>, vector<1x16xf32>,
          %swap3A_268 = vector.shape_cast %swap3A_267 : vector<1x16xf32> to vector<16xf32>
          %swap3A_269 = vector.shape_cast %mul3A_264 : vector<16xf32> to vector<1x16xf32>
          tpu.vector_store %arg6[%swap3A_265, %swap3A_266], %swap3A_269 {strides = array<i32>} : memref<256x32xf32, #tpu.memory_space<vmem>>, vector<1x16xf32>,
          %slice3A_270 = vector.extract_strided_slice %gather3A_140 {offsets = [5], sizes = [1], strides = [1]} : vector<16xf32> to vector<1xf32>
          %squeeze3A_271 = vector.extract %slice3A_270[0] : f32 from vector<1xf32>
          %add3A_272 = arith.constant 5 : i32
          %add3A_273 = arith.addi %mul3A_130, %add3A_272 : i32
          %get3A_274 = arith.index_cast %add3A_273 : i32 to index
          %get3A_275 = arith.constant 0 : index
          %get3A_276 = tpu.vector_load %arg6[%get3A_274, %get3A_275] {strides = array<i32>} : memref<256x32xf32, #tpu.memory_space<vmem>>, vector<1x16xf32>,
          %get3A_277 = vector.shape_cast %get3A_276 : vector<1x16xf32> to vector<16xf32>
          %mul3A_278 = vector.broadcast %squeeze3A_271 : f32 to vector<16xf32>
          %mul3A_279 = arith.mulf %get3A_277, %mul3A_278 : vector<16xf32>
          %swap3A_280 = arith.index_cast %add3A_273 : i32 to index
          %swap3A_281 = arith.constant 0 : index
          %swap3A_282 = tpu.vector_load %arg6[%swap3A_280, %swap3A_281] {strides = array<i32>} : memref<256x32xf32, #tpu.memory_space<vmem>>, vector<1x16xf32>,
          %swap3A_283 = vector.shape_cast %swap3A_282 : vector<1x16xf32> to vector<16xf32>
          %swap3A_284 = vector.shape_cast %mul3A_279 : vector<16xf32> to vector<1x16xf32>
          tpu.vector_store %arg6[%swap3A_280, %swap3A_281], %swap3A_284 {strides = array<i32>} : memref<256x32xf32, #tpu.memory_space<vmem>>, vector<1x16xf32>,
          %get3A_285 = arith.index_cast %add3A_273 : i32 to index
          %get3A_286 = arith.constant 16 : index
          %get3A_287 = tpu.vector_load %arg6[%get3A_285, %get3A_286] {strides = array<i32>} : memref<256x32xf32, #tpu.memory_space<vmem>>, vector<1x16xf32>,
          %get3A_288 = vector.shape_cast %get3A_287 : vector<1x16xf32> to vector<16xf32>
          %mul3A_289 = vector.broadcast %squeeze3A_271 : f32 to vector<16xf32>
          %mul3A_290 = arith.mulf %get3A_288, %mul3A_289 : vector<16xf32>
          %swap3A_291 = arith.index_cast %add3A_273 : i32 to index
          %swap3A_292 = arith.constant 16 : index
          %swap3A_293 = tpu.vector_load %arg6[%swap3A_291, %swap3A_292] {strides = array<i32>} : memref<256x32xf32, #tpu.memory_space<vmem>>, vector<1x16xf32>,
          %swap3A_294 = vector.shape_cast %swap3A_293 : vector<1x16xf32> to vector<16xf32>
          %swap3A_295 = vector.shape_cast %mul3A_290 : vector<16xf32> to vector<1x16xf32>
          tpu.vector_store %arg6[%swap3A_291, %swap3A_292], %swap3A_295 {strides = array<i32>} : memref<256x32xf32, #tpu.memory_space<vmem>>, vector<1x16xf32>,
          %slice3A_296 = vector.extract_strided_slice %gather3A_140 {offsets = [6], sizes = [1], strides = [1]} : vector<16xf32> to vector<1xf32>
          %squeeze3A_297 = vector.extract %slice3A_296[0] : f32 from vector<1xf32>
          %add3A_298 = arith.constant 6 : i32
          %add3A_299 = arith.addi %mul3A_130, %add3A_298 : i32
          %get3A_300 = arith.index_cast %add3A_299 : i32 to index
          %get3A_301 = arith.constant 0 : index
          %get3A_302 = tpu.vector_load %arg6[%get3A_300, %get3A_301] {strides = array<i32>} : memref<256x32xf32, #tpu.memory_space<vmem>>, vector<1x16xf32>,
          %get3A_303 = vector.shape_cast %get3A_302 : vector<1x16xf32> to vector<16xf32>
          %mul3A_304 = vector.broadcast %squeeze3A_297 : f32 to vector<16xf32>
          %mul3A_305 = arith.mulf %get3A_303, %mul3A_304 : vector<16xf32>
          %swap3A_306 = arith.index_cast %add3A_299 : i32 to index
          %swap3A_307 = arith.constant 0 : index
          %swap3A_308 = tpu.vector_load %arg6[%swap3A_306, %swap3A_307] {strides = array<i32>} : memref<256x32xf32, #tpu.memory_space<vmem>>, vector<1x16xf32>,
          %swap3A_309 = vector.shape_cast %swap3A_308 : vector<1x16xf32> to vector<16xf32>
          %swap3A_310 = vector.shape_cast %mul3A_305 : vector<16xf32> to vector<1x16xf32>
          tpu.vector_store %arg6[%swap3A_306, %swap3A_307], %swap3A_310 {strides = array<i32>} : memref<256x32xf32, #tpu.memory_space<vmem>>, vector<1x16xf32>,
          %get3A_311 = arith.index_cast %add3A_299 : i32 to index
          %get3A_312 = arith.constant 16 : index
          %get3A_313 = tpu.vector_load %arg6[%get3A_311, %get3A_312] {strides = array<i32>} : memref<256x32xf32, #tpu.memory_space<vmem>>, vector<1x16xf32>,
          %get3A_314 = vector.shape_cast %get3A_313 : vector<1x16xf32> to vector<16xf32>
          %mul3A_315 = vector.broadcast %squeeze3A_297 : f32 to vector<16xf32>
          %mul3A_316 = arith.mulf %get3A_314, %mul3A_315 : vector<16xf32>
          %swap3A_317 = arith.index_cast %add3A_299 : i32 to index
          %swap3A_318 = arith.constant 16 : index
          %swap3A_319 = tpu.vector_load %arg6[%swap3A_317, %swap3A_318] {strides = array<i32>} : memref<256x32xf32, #tpu.memory_space<vmem>>, vector<1x16xf32>,
          %swap3A_320 = vector.shape_cast %swap3A_319 : vector<1x16xf32> to vector<16xf32>
          %swap3A_321 = vector.shape_cast %mul3A_316 : vector<16xf32> to vector<1x16xf32>
          tpu.vector_store %arg6[%swap3A_317, %swap3A_318], %swap3A_321 {strides = array<i32>} : memref<256x32xf32, #tpu.memory_space<vmem>>, vector<1x16xf32>,
          %slice3A_322 = vector.extract_strided_slice %gather3A_140 {offsets = [7], sizes = [1], strides = [1]} : vector<16xf32> to vector<1xf32>
          %squeeze3A_323 = vector.extract %slice3A_322[0] : f32 from vector<1xf32>
          %add3A_324 = arith.constant 7 : i32
          %add3A_325 = arith.addi %mul3A_130, %add3A_324 : i32
          %get3A_326 = arith.index_cast %add3A_325 : i32 to index
          %get3A_327 = arith.constant 0 : index
          %get3A_328 = tpu.vector_load %arg6[%get3A_326, %get3A_327] {strides = array<i32>} : memref<256x32xf32, #tpu.memory_space<vmem>>, vector<1x16xf32>,
          %get3A_329 = vector.shape_cast %get3A_328 : vector<1x16xf32> to vector<16xf32>
          %mul3A_330 = vector.broadcast %squeeze3A_323 : f32 to vector<16xf32>
          %mul3A_331 = arith.mulf %get3A_329, %mul3A_330 : vector<16xf32>
          %swap3A_332 = arith.index_cast %add3A_325 : i32 to index
          %swap3A_333 = arith.constant 0 : index
          %swap3A_334 = tpu.vector_load %arg6[%swap3A_332, %swap3A_333] {strides = array<i32>} : memref<256x32xf32, #tpu.memory_space<vmem>>, vector<1x16xf32>,
          %swap3A_335 = vector.shape_cast %swap3A_334 : vector<1x16xf32> to vector<16xf32>
          %swap3A_336 = vector.shape_cast %mul3A_331 : vector<16xf32> to vector<1x16xf32>
          tpu.vector_store %arg6[%swap3A_332, %swap3A_333], %swap3A_336 {strides = array<i32>} : memref<256x32xf32, #tpu.memory_space<vmem>>, vector<1x16xf32>,
          %get3A_337 = arith.index_cast %add3A_325 : i32 to index
          %get3A_338 = arith.constant 16 : index
          %get3A_339 = tpu.vector_load %arg6[%get3A_337, %get3A_338] {strides = array<i32>} : memref<256x32xf32, #tpu.memory_space<vmem>>, vector<1x16xf32>,
          %get3A_340 = vector.shape_cast %get3A_339 : vector<1x16xf32> to vector<16xf32>
          %mul3A_341 = vector.broadcast %squeeze3A_323 : f32 to vector<16xf32>
          %mul3A_342 = arith.mulf %get3A_340, %mul3A_341 : vector<16xf32>
          %swap3A_343 = arith.index_cast %add3A_325 : i32 to index
          %swap3A_344 = arith.constant 16 : index
          %swap3A_345 = tpu.vector_load %arg6[%swap3A_343, %swap3A_344] {strides = array<i32>} : memref<256x32xf32, #tpu.memory_space<vmem>>, vector<1x16xf32>,
          %swap3A_346 = vector.shape_cast %swap3A_345 : vector<1x16xf32> to vector<16xf32>
          %swap3A_347 = vector.shape_cast %mul3A_342 : vector<16xf32> to vector<1x16xf32>
          tpu.vector_store %arg6[%swap3A_343, %swap3A_344], %swap3A_347 {strides = array<i32>} : memref<256x32xf32, #tpu.memory_space<vmem>>, vector<1x16xf32>,
          %slice3A_348 = vector.extract_strided_slice %gather3A_140 {offsets = [8], sizes = [1], strides = [1]} : vector<16xf32> to vector<1xf32>
          %squeeze3A_349 = vector.extract %slice3A_348[0] : f32 from vector<1xf32>
          %add3A_350 = arith.constant 8 : i32
          %add3A_351 = arith.addi %mul3A_130, %add3A_350 : i32
          %get3A_352 = arith.index_cast %add3A_351 : i32 to index
          %get3A_353 = arith.constant 0 : index
          %get3A_354 = tpu.vector_load %arg6[%get3A_352, %get3A_353] {strides = array<i32>} : memref<256x32xf32, #tpu.memory_space<vmem>>, vector<1x16xf32>,
          %get3A_355 = vector.shape_cast %get3A_354 : vector<1x16xf32> to vector<16xf32>
          %mul3A_356 = vector.broadcast %squeeze3A_349 : f32 to vector<16xf32>
          %mul3A_357 = arith.mulf %get3A_355, %mul3A_356 : vector<16xf32>
          %swap3A_358 = arith.index_cast %add3A_351 : i32 to index
          %swap3A_359 = arith.constant 0 : index
          %swap3A_360 = tpu.vector_load %arg6[%swap3A_358, %swap3A_359] {strides = array<i32>} : memref<256x32xf32, #tpu.memory_space<vmem>>, vector<1x16xf32>,
          %swap3A_361 = vector.shape_cast %swap3A_360 : vector<1x16xf32> to vector<16xf32>
          %swap3A_362 = vector.shape_cast %mul3A_357 : vector<16xf32> to vector<1x16xf32>
          tpu.vector_store %arg6[%swap3A_358, %swap3A_359], %swap3A_362 {strides = array<i32>} : memref<256x32xf32, #tpu.memory_space<vmem>>, vector<1x16xf32>,
          %get3A_363 = arith.index_cast %add3A_351 : i32 to index
          %get3A_364 = arith.constant 16 : index
          %get3A_365 = tpu.vector_load %arg6[%get3A_363, %get3A_364] {strides = array<i32>} : memref<256x32xf32, #tpu.memory_space<vmem>>, vector<1x16xf32>,
          %get3A_366 = vector.shape_cast %get3A_365 : vector<1x16xf32> to vector<16xf32>
          %mul3A_367 = vector.broadcast %squeeze3A_349 : f32 to vector<16xf32>
          %mul3A_368 = arith.mulf %get3A_366, %mul3A_367 : vector<16xf32>
          %swap3A_369 = arith.index_cast %add3A_351 : i32 to index
          %swap3A_370 = arith.constant 16 : index
          %swap3A_371 = tpu.vector_load %arg6[%swap3A_369, %swap3A_370] {strides = array<i32>} : memref<256x32xf32, #tpu.memory_space<vmem>>, vector<1x16xf32>,
          %swap3A_372 = vector.shape_cast %swap3A_371 : vector<1x16xf32> to vector<16xf32>
          %swap3A_373 = vector.shape_cast %mul3A_368 : vector<16xf32> to vector<1x16xf32>
          tpu.vector_store %arg6[%swap3A_369, %swap3A_370], %swap3A_373 {strides = array<i32>} : memref<256x32xf32, #tpu.memory_space<vmem>>, vector<1x16xf32>,
          %slice3A_374 = vector.extract_strided_slice %gather3A_140 {offsets = [9], sizes = [1], strides = [1]} : vector<16xf32> to vector<1xf32>
          %squeeze3A_375 = vector.extract %slice3A_374[0] : f32 from vector<1xf32>
          %add3A_376 = arith.constant 9 : i32
          %add3A_377 = arith.addi %mul3A_130, %add3A_376 : i32
          %get3A_378 = arith.index_cast %add3A_377 : i32 to index
          %get3A_379 = arith.constant 0 : index
          %get3A_380 = tpu.vector_load %arg6[%get3A_378, %get3A_379] {strides = array<i32>} : memref<256x32xf32, #tpu.memory_space<vmem>>, vector<1x16xf32>,
          %get3A_381 = vector.shape_cast %get3A_380 : vector<1x16xf32> to vector<16xf32>
          %mul3A_382 = vector.broadcast %squeeze3A_375 : f32 to vector<16xf32>
          %mul3A_383 = arith.mulf %get3A_381, %mul3A_382 : vector<16xf32>
          %swap3A_384 = arith.index_cast %add3A_377 : i32 to index
          %swap3A_385 = arith.constant 0 : index
          %swap3A_386 = tpu.vector_load %arg6[%swap3A_384, %swap3A_385] {strides = array<i32>} : memref<256x32xf32, #tpu.memory_space<vmem>>, vector<1x16xf32>,
          %swap3A_387 = vector.shape_cast %swap3A_386 : vector<1x16xf32> to vector<16xf32>
          %swap3A_388 = vector.shape_cast %mul3A_383 : vector<16xf32> to vector<1x16xf32>
          tpu.vector_store %arg6[%swap3A_384, %swap3A_385], %swap3A_388 {strides = array<i32>} : memref<256x32xf32, #tpu.memory_space<vmem>>, vector<1x16xf32>,
          %get3A_389 = arith.index_cast %add3A_377 : i32 to index
          %get3A_390 = arith.constant 16 : index
          %get3A_391 = tpu.vector_load %arg6[%get3A_389, %get3A_390] {strides = array<i32>} : memref<256x32xf32, #tpu.memory_space<vmem>>, vector<1x16xf32>,
          %get3A_392 = vector.shape_cast %get3A_391 : vector<1x16xf32> to vector<16xf32>
          %mul3A_393 = vector.broadcast %squeeze3A_375 : f32 to vector<16xf32>
          %mul3A_394 = arith.mulf %get3A_392, %mul3A_393 : vector<16xf32>
          %swap3A_395 = arith.index_cast %add3A_377 : i32 to index
          %swap3A_396 = arith.constant 16 : index
          %swap3A_397 = tpu.vector_load %arg6[%swap3A_395, %swap3A_396] {strides = array<i32>} : memref<256x32xf32, #tpu.memory_space<vmem>>, vector<1x16xf32>,
          %swap3A_398 = vector.shape_cast %swap3A_397 : vector<1x16xf32> to vector<16xf32>
          %swap3A_399 = vector.shape_cast %mul3A_394 : vector<16xf32> to vector<1x16xf32>
          tpu.vector_store %arg6[%swap3A_395, %swap3A_396], %swap3A_399 {strides = array<i32>} : memref<256x32xf32, #tpu.memory_space<vmem>>, vector<1x16xf32>,
          %slice3A_400 = vector.extract_strided_slice %gather3A_140 {offsets = [10], sizes = [1], strides = [1]} : vector<16xf32> to vector<1xf32>
          %squeeze3A_401 = vector.extract %slice3A_400[0] : f32 from vector<1xf32>
          %add3A_402 = arith.constant 10 : i32
          %add3A_403 = arith.addi %mul3A_130, %add3A_402 : i32
          %get3A_404 = arith.index_cast %add3A_403 : i32 to index
          %get3A_405 = arith.constant 0 : index
          %get3A_406 = tpu.vector_load %arg6[%get3A_404, %get3A_405] {strides = array<i32>} : memref<256x32xf32, #tpu.memory_space<vmem>>, vector<1x16xf32>,
          %get3A_407 = vector.shape_cast %get3A_406 : vector<1x16xf32> to vector<16xf32>
          %mul3A_408 = vector.broadcast %squeeze3A_401 : f32 to vector<16xf32>
          %mul3A_409 = arith.mulf %get3A_407, %mul3A_408 : vector<16xf32>
          %swap3A_410 = arith.index_cast %add3A_403 : i32 to index
          %swap3A_411 = arith.constant 0 : index
          %swap3A_412 = tpu.vector_load %arg6[%swap3A_410, %swap3A_411] {strides = array<i32>} : memref<256x32xf32, #tpu.memory_space<vmem>>, vector<1x16xf32>,
          %swap3A_413 = vector.shape_cast %swap3A_412 : vector<1x16xf32> to vector<16xf32>
          %swap3A_414 = vector.shape_cast %mul3A_409 : vector<16xf32> to vector<1x16xf32>
          tpu.vector_store %arg6[%swap3A_410, %swap3A_411], %swap3A_414 {strides = array<i32>} : memref<256x32xf32, #tpu.memory_space<vmem>>, vector<1x16xf32>,
          %get3A_415 = arith.index_cast %add3A_403 : i32 to index
          %get3A_416 = arith.constant 16 : index
          %get3A_417 = tpu.vector_load %arg6[%get3A_415, %get3A_416] {strides = array<i32>} : memref<256x32xf32, #tpu.memory_space<vmem>>, vector<1x16xf32>,
          %get3A_418 = vector.shape_cast %get3A_417 : vector<1x16xf32> to vector<16xf32>
          %mul3A_419 = vector.broadcast %squeeze3A_401 : f32 to vector<16xf32>
          %mul3A_420 = arith.mulf %get3A_418, %mul3A_419 : vector<16xf32>
          %swap3A_421 = arith.index_cast %add3A_403 : i32 to index
          %swap3A_422 = arith.constant 16 : index
          %swap3A_423 = tpu.vector_load %arg6[%swap3A_421, %swap3A_422] {strides = array<i32>} : memref<256x32xf32, #tpu.memory_space<vmem>>, vector<1x16xf32>,
          %swap3A_424 = vector.shape_cast %swap3A_423 : vector<1x16xf32> to vector<16xf32>
          %swap3A_425 = vector.shape_cast %mul3A_420 : vector<16xf32> to vector<1x16xf32>
          tpu.vector_store %arg6[%swap3A_421, %swap3A_422], %swap3A_425 {strides = array<i32>} : memref<256x32xf32, #tpu.memory_space<vmem>>, vector<1x16xf32>,
          %slice3A_426 = vector.extract_strided_slice %gather3A_140 {offsets = [11], sizes = [1], strides = [1]} : vector<16xf32> to vector<1xf32>
          %squeeze3A_427 = vector.extract %slice3A_426[0] : f32 from vector<1xf32>
          %add3A_428 = arith.constant 11 : i32
          %add3A_429 = arith.addi %mul3A_130, %add3A_428 : i32
          %get3A_430 = arith.index_cast %add3A_429 : i32 to index
          %get3A_431 = arith.constant 0 : index
          %get3A_432 = tpu.vector_load %arg6[%get3A_430, %get3A_431] {strides = array<i32>} : memref<256x32xf32, #tpu.memory_space<vmem>>, vector<1x16xf32>,
          %get3A_433 = vector.shape_cast %get3A_432 : vector<1x16xf32> to vector<16xf32>
          %mul3A_434 = vector.broadcast %squeeze3A_427 : f32 to vector<16xf32>
          %mul3A_435 = arith.mulf %get3A_433, %mul3A_434 : vector<16xf32>
          %swap3A_436 = arith.index_cast %add3A_429 : i32 to index
          %swap3A_437 = arith.constant 0 : index
          %swap3A_438 = tpu.vector_load %arg6[%swap3A_436, %swap3A_437] {strides = array<i32>} : memref<256x32xf32, #tpu.memory_space<vmem>>, vector<1x16xf32>,
          %swap3A_439 = vector.shape_cast %swap3A_438 : vector<1x16xf32> to vector<16xf32>
          %swap3A_440 = vector.shape_cast %mul3A_435 : vector<16xf32> to vector<1x16xf32>
          tpu.vector_store %arg6[%swap3A_436, %swap3A_437], %swap3A_440 {strides = array<i32>} : memref<256x32xf32, #tpu.memory_space<vmem>>, vector<1x16xf32>,
          %get3A_441 = arith.index_cast %add3A_429 : i32 to index
          %get3A_442 = arith.constant 16 : index
          %get3A_443 = tpu.vector_load %arg6[%get3A_441, %get3A_442] {strides = array<i32>} : memref<256x32xf32, #tpu.memory_space<vmem>>, vector<1x16xf32>,
          %get3A_444 = vector.shape_cast %get3A_443 : vector<1x16xf32> to vector<16xf32>
          %mul3A_445 = vector.broadcast %squeeze3A_427 : f32 to vector<16xf32>
          %mul3A_446 = arith.mulf %get3A_444, %mul3A_445 : vector<16xf32>
          %swap3A_447 = arith.index_cast %add3A_429 : i32 to index
          %swap3A_448 = arith.constant 16 : index
          %swap3A_449 = tpu.vector_load %arg6[%swap3A_447, %swap3A_448] {strides = array<i32>} : memref<256x32xf32, #tpu.memory_space<vmem>>, vector<1x16xf32>,
          %swap3A_450 = vector.shape_cast %swap3A_449 : vector<1x16xf32> to vector<16xf32>
          %swap3A_451 = vector.shape_cast %mul3A_446 : vector<16xf32> to vector<1x16xf32>
          tpu.vector_store %arg6[%swap3A_447, %swap3A_448], %swap3A_451 {strides = array<i32>} : memref<256x32xf32, #tpu.memory_space<vmem>>, vector<1x16xf32>,
          %slice3A_452 = vector.extract_strided_slice %gather3A_140 {offsets = [12], sizes = [1], strides = [1]} : vector<16xf32> to vector<1xf32>
          %squeeze3A_453 = vector.extract %slice3A_452[0] : f32 from vector<1xf32>
          %add3A_454 = arith.constant 12 : i32
          %add3A_455 = arith.addi %mul3A_130, %add3A_454 : i32
          %get3A_456 = arith.index_cast %add3A_455 : i32 to index
          %get3A_457 = arith.constant 0 : index
          %get3A_458 = tpu.vector_load %arg6[%get3A_456, %get3A_457] {strides = array<i32>} : memref<256x32xf32, #tpu.memory_space<vmem>>, vector<1x16xf32>,
          %get3A_459 = vector.shape_cast %get3A_458 : vector<1x16xf32> to vector<16xf32>
          %mul3A_460 = vector.broadcast %squeeze3A_453 : f32 to vector<16xf32>
          %mul3A_461 = arith.mulf %get3A_459, %mul3A_460 : vector<16xf32>
          %swap3A_462 = arith.index_cast %add3A_455 : i32 to index
          %swap3A_463 = arith.constant 0 : index
          %swap3A_464 = tpu.vector_load %arg6[%swap3A_462, %swap3A_463] {strides = array<i32>} : memref<256x32xf32, #tpu.memory_space<vmem>>, vector<1x16xf32>,
          %swap3A_465 = vector.shape_cast %swap3A_464 : vector<1x16xf32> to vector<16xf32>
          %swap3A_466 = vector.shape_cast %mul3A_461 : vector<16xf32> to vector<1x16xf32>
          tpu.vector_store %arg6[%swap3A_462, %swap3A_463], %swap3A_466 {strides = array<i32>} : memref<256x32xf32, #tpu.memory_space<vmem>>, vector<1x16xf32>,
          %get3A_467 = arith.index_cast %add3A_455 : i32 to index
          %get3A_468 = arith.constant 16 : index
          %get3A_469 = tpu.vector_load %arg6[%get3A_467, %get3A_468] {strides = array<i32>} : memref<256x32xf32, #tpu.memory_space<vmem>>, vector<1x16xf32>,
          %get3A_470 = vector.shape_cast %get3A_469 : vector<1x16xf32> to vector<16xf32>
          %mul3A_471 = vector.broadcast %squeeze3A_453 : f32 to vector<16xf32>
          %mul3A_472 = arith.mulf %get3A_470, %mul3A_471 : vector<16xf32>
          %swap3A_473 = arith.index_cast %add3A_455 : i32 to index
          %swap3A_474 = arith.constant 16 : index
          %swap3A_475 = tpu.vector_load %arg6[%swap3A_473, %swap3A_474] {strides = array<i32>} : memref<256x32xf32, #tpu.memory_space<vmem>>, vector<1x16xf32>,
          %swap3A_476 = vector.shape_cast %swap3A_475 : vector<1x16xf32> to vector<16xf32>
          %swap3A_477 = vector.shape_cast %mul3A_472 : vector<16xf32> to vector<1x16xf32>
          tpu.vector_store %arg6[%swap3A_473, %swap3A_474], %swap3A_477 {strides = array<i32>} : memref<256x32xf32, #tpu.memory_space<vmem>>, vector<1x16xf32>,
          %slice3A_478 = vector.extract_strided_slice %gather3A_140 {offsets = [13], sizes = [1], strides = [1]} : vector<16xf32> to vector<1xf32>
          %squeeze3A_479 = vector.extract %slice3A_478[0] : f32 from vector<1xf32>
          %add3A_480 = arith.constant 13 : i32
          %add3A_481 = arith.addi %mul3A_130, %add3A_480 : i32
          %get3A_482 = arith.index_cast %add3A_481 : i32 to index
          %get3A_483 = arith.constant 0 : index
          %get3A_484 = tpu.vector_load %arg6[%get3A_482, %get3A_483] {strides = array<i32>} : memref<256x32xf32, #tpu.memory_space<vmem>>, vector<1x16xf32>,
          %get3A_485 = vector.shape_cast %get3A_484 : vector<1x16xf32> to vector<16xf32>
          %mul3A_486 = vector.broadcast %squeeze3A_479 : f32 to vector<16xf32>
          %mul3A_487 = arith.mulf %get3A_485, %mul3A_486 : vector<16xf32>
          %swap3A_488 = arith.index_cast %add3A_481 : i32 to index
          %swap3A_489 = arith.constant 0 : index
          %swap3A_490 = tpu.vector_load %arg6[%swap3A_488, %swap3A_489] {strides = array<i32>} : memref<256x32xf32, #tpu.memory_space<vmem>>, vector<1x16xf32>,
          %swap3A_491 = vector.shape_cast %swap3A_490 : vector<1x16xf32> to vector<16xf32>
          %swap3A_492 = vector.shape_cast %mul3A_487 : vector<16xf32> to vector<1x16xf32>
          tpu.vector_store %arg6[%swap3A_488, %swap3A_489], %swap3A_492 {strides = array<i32>} : memref<256x32xf32, #tpu.memory_space<vmem>>, vector<1x16xf32>,
          %get3A_493 = arith.index_cast %add3A_481 : i32 to index
          %get3A_494 = arith.constant 16 : index
          %get3A_495 = tpu.vector_load %arg6[%get3A_493, %get3A_494] {strides = array<i32>} : memref<256x32xf32, #tpu.memory_space<vmem>>, vector<1x16xf32>,
          %get3A_496 = vector.shape_cast %get3A_495 : vector<1x16xf32> to vector<16xf32>
          %mul3A_497 = vector.broadcast %squeeze3A_479 : f32 to vector<16xf32>
          %mul3A_498 = arith.mulf %get3A_496, %mul3A_497 : vector<16xf32>
          %swap3A_499 = arith.index_cast %add3A_481 : i32 to index
          %swap3A_500 = arith.constant 16 : index
          %swap3A_501 = tpu.vector_load %arg6[%swap3A_499, %swap3A_500] {strides = array<i32>} : memref<256x32xf32, #tpu.memory_space<vmem>>, vector<1x16xf32>,
          %swap3A_502 = vector.shape_cast %swap3A_501 : vector<1x16xf32> to vector<16xf32>
          %swap3A_503 = vector.shape_cast %mul3A_498 : vector<16xf32> to vector<1x16xf32>
          tpu.vector_store %arg6[%swap3A_499, %swap3A_500], %swap3A_503 {strides = array<i32>} : memref<256x32xf32, #tpu.memory_space<vmem>>, vector<1x16xf32>,
          %slice3A_504 = vector.extract_strided_slice %gather3A_140 {offsets = [14], sizes = [1], strides = [1]} : vector<16xf32> to vector<1xf32>
          %squeeze3A_505 = vector.extract %slice3A_504[0] : f32 from vector<1xf32>
          %add3A_506 = arith.constant 14 : i32
          %add3A_507 = arith.addi %mul3A_130, %add3A_506 : i32
          %get3A_508 = arith.index_cast %add3A_507 : i32 to index
          %get3A_509 = arith.constant 0 : index
          %get3A_510 = tpu.vector_load %arg6[%get3A_508, %get3A_509] {strides = array<i32>} : memref<256x32xf32, #tpu.memory_space<vmem>>, vector<1x16xf32>,
          %get3A_511 = vector.shape_cast %get3A_510 : vector<1x16xf32> to vector<16xf32>
          %mul3A_512 = vector.broadcast %squeeze3A_505 : f32 to vector<16xf32>
          %mul3A_513 = arith.mulf %get3A_511, %mul3A_512 : vector<16xf32>
          %swap3A_514 = arith.index_cast %add3A_507 : i32 to index
          %swap3A_515 = arith.constant 0 : index
          %swap3A_516 = tpu.vector_load %arg6[%swap3A_514, %swap3A_515] {strides = array<i32>} : memref<256x32xf32, #tpu.memory_space<vmem>>, vector<1x16xf32>,
          %swap3A_517 = vector.shape_cast %swap3A_516 : vector<1x16xf32> to vector<16xf32>
          %swap3A_518 = vector.shape_cast %mul3A_513 : vector<16xf32> to vector<1x16xf32>
          tpu.vector_store %arg6[%swap3A_514, %swap3A_515], %swap3A_518 {strides = array<i32>} : memref<256x32xf32, #tpu.memory_space<vmem>>, vector<1x16xf32>,
          %get3A_519 = arith.index_cast %add3A_507 : i32 to index
          %get3A_520 = arith.constant 16 : index
          %get3A_521 = tpu.vector_load %arg6[%get3A_519, %get3A_520] {strides = array<i32>} : memref<256x32xf32, #tpu.memory_space<vmem>>, vector<1x16xf32>,
          %get3A_522 = vector.shape_cast %get3A_521 : vector<1x16xf32> to vector<16xf32>
          %mul3A_523 = vector.broadcast %squeeze3A_505 : f32 to vector<16xf32>
          %mul3A_524 = arith.mulf %get3A_522, %mul3A_523 : vector<16xf32>
          %swap3A_525 = arith.index_cast %add3A_507 : i32 to index
          %swap3A_526 = arith.constant 16 : index
          %swap3A_527 = tpu.vector_load %arg6[%swap3A_525, %swap3A_526] {strides = array<i32>} : memref<256x32xf32, #tpu.memory_space<vmem>>, vector<1x16xf32>,
          %swap3A_528 = vector.shape_cast %swap3A_527 : vector<1x16xf32> to vector<16xf32>
          %swap3A_529 = vector.shape_cast %mul3A_524 : vector<16xf32> to vector<1x16xf32>
          tpu.vector_store %arg6[%swap3A_525, %swap3A_526], %swap3A_529 {strides = array<i32>} : memref<256x32xf32, #tpu.memory_space<vmem>>, vector<1x16xf32>,
          %slice3A_530 = vector.extract_strided_slice %gather3A_140 {offsets = [15], sizes = [1], strides = [1]} : vector<16xf32> to vector<1xf32>
          %squeeze3A_531 = vector.extract %slice3A_530[0] : f32 from vector<1xf32>
          %add3A_532 = arith.constant 15 : i32
          %add3A_533 = arith.addi %mul3A_130, %add3A_532 : i32
          %get3A_534 = arith.index_cast %add3A_533 : i32 to index
          %get3A_535 = arith.constant 0 : index
          %get3A_536 = tpu.vector_load %arg6[%get3A_534, %get3A_535] {strides = array<i32>} : memref<256x32xf32, #tpu.memory_space<vmem>>, vector<1x16xf32>,
          %get3A_537 = vector.shape_cast %get3A_536 : vector<1x16xf32> to vector<16xf32>
          %mul3A_538 = vector.broadcast %squeeze3A_531 : f32 to vector<16xf32>
          %mul3A_539 = arith.mulf %get3A_537, %mul3A_538 : vector<16xf32>
          %swap3A_540 = arith.index_cast %add3A_533 : i32 to index
          %swap3A_541 = arith.constant 0 : index
          %swap3A_542 = tpu.vector_load %arg6[%swap3A_540, %swap3A_541] {strides = array<i32>} : memref<256x32xf32, #tpu.memory_space<vmem>>, vector<1x16xf32>,
          %swap3A_543 = vector.shape_cast %swap3A_542 : vector<1x16xf32> to vector<16xf32>
          %swap3A_544 = vector.shape_cast %mul3A_539 : vector<16xf32> to vector<1x16xf32>
          tpu.vector_store %arg6[%swap3A_540, %swap3A_541], %swap3A_544 {strides = array<i32>} : memref<256x32xf32, #tpu.memory_space<vmem>>, vector<1x16xf32>,
          %get3A_545 = arith.index_cast %add3A_533 : i32 to index
          %get3A_546 = arith.constant 16 : index
          %get3A_547 = tpu.vector_load %arg6[%get3A_545, %get3A_546] {strides = array<i32>} : memref<256x32xf32, #tpu.memory_space<vmem>>, vector<1x16xf32>,
          %get3A_548 = vector.shape_cast %get3A_547 : vector<1x16xf32> to vector<16xf32>
          %mul3A_549 = vector.broadcast %squeeze3A_531 : f32 to vector<16xf32>
          %mul3A_550 = arith.mulf %get3A_548, %mul3A_549 : vector<16xf32>
          %swap3A_551 = arith.index_cast %add3A_533 : i32 to index
          %swap3A_552 = arith.constant 16 : index
          %swap3A_553 = tpu.vector_load %arg6[%swap3A_551, %swap3A_552] {strides = array<i32>} : memref<256x32xf32, #tpu.memory_space<vmem>>, vector<1x16xf32>,
          %swap3A_554 = vector.shape_cast %swap3A_553 : vector<1x16xf32> to vector<16xf32>
          %swap3A_555 = vector.shape_cast %mul3A_550 : vector<16xf32> to vector<1x16xf32>
          tpu.vector_store %arg6[%swap3A_551, %swap3A_552], %swap3A_555 {strides = array<i32>} : memref<256x32xf32, #tpu.memory_space<vmem>>, vector<1x16xf32>,
          %scan3A_556 = arith.constant 0 : i32
          scf.yield %scan3A_556 : i32
        }
        %scan3A_125 = arith.constant 16 : i32
        %cond3A_126 = arith.constant 0 : i32
        scf.yield %cond3A_126 : i32
      }
      %mul3A_69 = arith.constant 256 : i32
      %mul3A_70 = arith.muli %add3A_40, %mul3A_69 : i32
      %add3A_71 = arith.addi %mul3A_2, %mul3A_70 : i32
      %dma_start3A_72 = arith.constant 0 : i32
      %dma_start3A_73 = tpu.memref_slice %arg5[%add3A_71, %dma_start3A_72] : memref<1048576x32xf32, #tpu.memory_space<hbm>> -> memref<256x32xf32, #tpu.memory_space<hbm>>
      %dma_start3A_74 = arith.constant 0 : i32
      %dma_start3A_75 = tpu.memref_slice %arg5[%add3A_71, %dma_start3A_74] : memref<1048576x32xf32, #tpu.memory_space<hbm>> -> memref<256x32xf32, #tpu.memory_space<hbm>>
      tpu.enqueue_dma source(%arg6 : memref<256x32xf32, #tpu.memory_space<vmem>>) target(%dma_start3A_75 : memref<256x32xf32, #tpu.memory_space<hbm>>) target_semaphore(%arg15 : memref<!tpu.dma_semaphore, #tpu.memory_space<semaphore_mem>>)
      %add3A_76 = arith.constant 1 : i32
      %add3A_77 = arith.addi %mul3A_38, %add3A_76 : i32
      %dma_wait3A_78 = arith.constant 0 : i32
      %dma_wait3A_79 = arith.constant 0 : i32
      %dma_wait3A_80 = tpu.memref_slice %arg4[%dma_wait3A_78, %dma_wait3A_79] : memref<1048576x32xf32, #tpu.memory_space<hbm>> -> memref<256x32xf32, #tpu.memory_space<hbm>>
      %dma_wait3A_81 = arith.constant 0 : i32
      %dma_wait3A_82 = arith.constant 0 : i32
      %dma_wait3A_83 = tpu.memref_slice %arg4[%dma_wait3A_81, %dma_wait3A_82] : memref<1048576x32xf32, #tpu.memory_space<hbm>> -> memref<256x32xf32, #tpu.memory_space<hbm>>
      tpu.wait_dma2 semaphore(%arg12 : memref<!tpu.dma_semaphore, #tpu.memory_space<semaphore_mem>>) src(%dma_wait3A_83 : memref<256x32xf32, #tpu.memory_space<hbm>>) dst(%arg7 : memref<256x32xf32, #tpu.memory_space<vmem>>)
      %dma_wait3A_84 = arith.constant 0 : i32
      %dma_wait3A_85 = tpu.memref_slice %arg3[%dma_wait3A_84] : memref<1048576xi32, #tpu.memory_space<hbm>> -> memref<256xi32, #tpu.memory_space<hbm>>
      %dma_wait3A_86 = arith.constant 0 : i32
      %dma_wait3A_87 = tpu.memref_slice %arg3[%dma_wait3A_86] : memref<1048576xi32, #tpu.memory_space<hbm>> -> memref<256xi32, #tpu.memory_space<hbm>>
      tpu.wait_dma2 semaphore(%arg14 : memref<!tpu.dma_semaphore, #tpu.memory_space<semaphore_mem>>) src(%dma_wait3A_87 : memref<256xi32, #tpu.memory_space<hbm>>) dst(%arg9 : memref<256xi32, #tpu.memory_space<vmem>>)
      %add3A_88 = arith.constant 1 : i32
      %add3A_89 = arith.addi %add3A_77, %add3A_88 : i32
      %lt3A_90 = arith.constant 128 : i32
      %lt3A_91 = arith.cmpi slt, %add3A_89, %lt3A_90 : i32
      %convert_element_type3A_92 = arith.extui %lt3A_91 : i1 to i32
      %cond3A_93 = arith.constant 0 : i32
      %cond3A_94 = arith.cmpi ne, %convert_element_type3A_92, %cond3A_93 : i32
      scf.if %cond3A_94 {
        %ge3A = arith.constant 1 : i32
        %ge3A_119 = arith.cmpi sge, %add3A_77, %ge3A : i32
        %convert_element_type3A_120 = arith.extui %ge3A_119 : i1 to i32
        %cond3A_121 = arith.constant 0 : i32
        %cond3A_122 = arith.cmpi ne, %convert_element_type3A_120, %cond3A_121 : i32
        scf.if %cond3A_122 {
          %dma_wait3A_134 = arith.constant 0 : i32
          %dma_wait3A_135 = arith.constant 0 : i32
          %dma_wait3A_136 = tpu.memref_slice %arg5[%dma_wait3A_134, %dma_wait3A_135] : memref<1048576x32xf32, #tpu.memory_space<hbm>> -> memref<256x32xf32, #tpu.memory_space<hbm>>
          %dma_wait3A_137 = arith.constant 0 : i32
          %dma_wait3A_138 = arith.constant 0 : i32
          %dma_wait3A_139 = tpu.memref_slice %arg5[%dma_wait3A_137, %dma_wait3A_138] : memref<1048576x32xf32, #tpu.memory_space<hbm>> -> memref<256x32xf32, #tpu.memory_space<hbm>>
          tpu.wait_dma2 semaphore(%arg15 : memref<!tpu.dma_semaphore, #tpu.memory_space<semaphore_mem>>) src(%arg6 : memref<256x32xf32, #tpu.memory_space<vmem>>) dst(%dma_wait3A_139 : memref<256x32xf32, #tpu.memory_space<hbm>>)
        } else {
        }
        %add3A_123 = arith.constant 1 : i32
        %add3A_124 = arith.addi %add3A_77, %add3A_123 : i32
        %mul3A_125 = arith.constant 256 : i32
        %mul3A_126 = arith.muli %add3A_124, %mul3A_125 : i32
        %add3A_127 = arith.addi %mul3A_2, %mul3A_126 : i32
        %dma_start3A_128 = arith.constant 0 : i32
        %dma_start3A_129 = tpu.memref_slice %arg4[%add3A_127, %dma_start3A_128] : memref<1048576x32xf32, #tpu.memory_space<hbm>> -> memref<256x32xf32, #tpu.memory_space<hbm>>
        %dma_start3A_130 = arith.constant 0 : i32
        %dma_start3A_131 = tpu.memref_slice %arg4[%add3A_127, %dma_start3A_130] : memref<1048576x32xf32, #tpu.memory_space<hbm>> -> memref<256x32xf32, #tpu.memory_space<hbm>>
        tpu.enqueue_dma source(%dma_start3A_131 : memref<256x32xf32, #tpu.memory_space<hbm>>) target(%arg6 : memref<256x32xf32, #tpu.memory_space<vmem>>) target_semaphore(%arg11 : memref<!tpu.dma_semaphore, #tpu.memory_space<semaphore_mem>>)
        %dma_start3A_132 = tpu.memref_slice %arg3[%add3A_127] : memref<1048576xi32, #tpu.memory_space<hbm>> -> memref<256xi32, #tpu.memory_space<hbm>>
        %dma_start3A_133 = tpu.memref_slice %arg3[%add3A_127] : memref<1048576xi32, #tpu.memory_space<hbm>> -> memref<256xi32, #tpu.memory_space<hbm>>
        tpu.enqueue_dma source(%dma_start3A_133 : memref<256xi32, #tpu.memory_space<hbm>>) target(%arg8 : memref<256xi32, #tpu.memory_space<vmem>>) target_semaphore(%arg13 : memref<!tpu.dma_semaphore, #tpu.memory_space<semaphore_mem>>)
      } else {
      }
      %get3A_95 = arith.constant 0 : index
      %get3A_96 = tpu.vector_load %arg9[%get3A_95] {strides = array<i32>} : memref<256xi32, #tpu.memory_space<vmem>>, vector<16xi32>,
      %get3A_97 = vector.shape_cast %get3A_96 : vector<16xi32> to vector<16xi32>
      %get3A_98 = arith.constant 240 : index
      %get3A_99 = tpu.vector_load %arg9[%get3A_98] {strides = array<i32>} : memref<256xi32, #tpu.memory_space<vmem>>, vector<16xi32>,
      %get3A_100 = vector.shape_cast %get3A_99 : vector<16xi32> to vector<16xi32>
      %slice3A_101 = vector.extract_strided_slice %get3A_97 {offsets = [0], sizes = [1], strides = [1]} : vector<16xi32> to vector<1xi32>
      %squeeze3A_102 = vector.extract %slice3A_101[0] : i32 from vector<1xi32>
      %slice3A_103 = vector.extract_strided_slice %get3A_100 {offsets = [15], sizes = [1], strides = [1]} : vector<16xi32> to vector<1xi32>
      %squeeze3A_104 = vector.extract %slice3A_103[0] : i32 from vector<1xi32>
      %eq3A_105 = arith.cmpi eq, %squeeze3A_102, %squeeze3A_104 : i32
      %convert_element_type3A_106 = arith.extui %eq3A_105 : i1 to i32
      %cond3A_107 = arith.constant 0 : i32
      %cond3A_108 = arith.constant 0 : i32
      %cond3A_109 = arith.cmpi ne, %convert_element_type3A_106, %cond3A_108 : i32
      %cond3A_110 = scf.if %cond3A_109 -> (i32) {
        %broadcast_in_dim3A = vector.broadcast %squeeze3A_102 : i32 to vector<16xi32>
        %lt3A_119 = arith.constant 0 : i32
        %lt3A_120 = vector.broadcast %lt3A_119 : i32 to vector<16xi32>
        %lt3A_121 = arith.cmpi slt, %broadcast_in_dim3A, %lt3A_120 : vector<16xi32>
        %add3A_122 = arith.constant 16 : i32
        %add3A_123 = vector.broadcast %add3A_122 : i32 to vector<16xi32>
        %add3A_124 = arith.addi %broadcast_in_dim3A, %add3A_123 : vector<16xi32>
        %select_n3A = arith.select %lt3A_121, %add3A_124, %broadcast_in_dim3A : vector<16xi1>, vector<16xi32>
        %broadcast_in_dim3A_125 = vector.shape_cast %select_n3A : vector<16xi32> to vector<16x1xi32>
        %gather3A = vector.shape_cast %broadcast_in_dim3A_125 : vector<16x1xi32> to vector<16xi32>
        %gather3A_126 = tpu.dynamic_gather %div3A_10[%gather3A] in [0] : vector<16xf32>, vector<16xi32> -> vector<16xf32>
        %scan3A_127 = arith.constant 0 : i32
        %scan3A_128 = arith.constant 0 : i32
        %scan3A_129 = arith.constant 32 : i32
        %scan3A_130 = arith.addi %scan3A_128, %scan3A_129 : i32
        %scan3A_131 = arith.constant 1 : i32
        %scan3A_132 = scf.for %scan3A_135 = %scan3A_128 to %scan3A_130 step %scan3A_131 iter_args(%scan3A_136 = %scan3A_127) -> (i32)  : i32 {
          %mul3A_137 = arith.constant 8 : i32
          %mul3A_138 = arith.muli %scan3A_135, %mul3A_137 : i32
          %add3A_139 = arith.constant 0 : i32
          %add3A_140 = arith.addi %mul3A_138, %add3A_139 : i32
          %get3A_141 = arith.index_cast %add3A_140 : i32 to index
          %get3A_142 = arith.constant 0 : index
          %get3A_143 = tpu.vector_load %arg7[%get3A_141, %get3A_142] {strides = array<i32>} : memref<256x32xf32, #tpu.memory_space<vmem>>, vector<1x16xf32>,
          %get3A_144 = vector.shape_cast %get3A_143 : vector<1x16xf32> to vector<16xf32>
          %mul3A_145 = arith.mulf %get3A_144, %gather3A_126 : vector<16xf32>
          %swap3A = arith.index_cast %add3A_140 : i32 to index
          %swap3A_146 = arith.constant 0 : index
          %swap3A_147 = tpu.vector_load %arg7[%swap3A, %swap3A_146] {strides = array<i32>} : memref<256x32xf32, #tpu.memory_space<vmem>>, vector<1x16xf32>,
          %swap3A_148 = vector.shape_cast %swap3A_147 : vector<1x16xf32> to vector<16xf32>
          %swap3A_149 = vector.shape_cast %mul3A_145 : vector<16xf32> to vector<1x16xf32>
          tpu.vector_store %arg7[%swap3A, %swap3A_146], %swap3A_149 {strides = array<i32>} : memref<256x32xf32, #tpu.memory_space<vmem>>, vector<1x16xf32>,
          %get3A_150 = arith.index_cast %add3A_140 : i32 to index
          %get3A_151 = arith.constant 16 : index
          %get3A_152 = tpu.vector_load %arg7[%get3A_150, %get3A_151] {strides = array<i32>} : memref<256x32xf32, #tpu.memory_space<vmem>>, vector<1x16xf32>,
          %get3A_153 = vector.shape_cast %get3A_152 : vector<1x16xf32> to vector<16xf32>
          %mul3A_154 = arith.mulf %get3A_153, %gather3A_126 : vector<16xf32>
          %swap3A_155 = arith.index_cast %add3A_140 : i32 to index
          %swap3A_156 = arith.constant 16 : index
          %swap3A_157 = tpu.vector_load %arg7[%swap3A_155, %swap3A_156] {strides = array<i32>} : memref<256x32xf32, #tpu.memory_space<vmem>>, vector<1x16xf32>,
          %swap3A_158 = vector.shape_cast %swap3A_157 : vector<1x16xf32> to vector<16xf32>
          %swap3A_159 = vector.shape_cast %mul3A_154 : vector<16xf32> to vector<1x16xf32>
          tpu.vector_store %arg7[%swap3A_155, %swap3A_156], %swap3A_159 {strides = array<i32>} : memref<256x32xf32, #tpu.memory_space<vmem>>, vector<1x16xf32>,
          %mul3A_160 = arith.constant 8 : i32
          %mul3A_161 = arith.muli %scan3A_135, %mul3A_160 : i32
          %add3A_162 = arith.constant 1 : i32
          %add3A_163 = arith.addi %mul3A_161, %add3A_162 : i32
          %get3A_164 = arith.index_cast %add3A_163 : i32 to index
          %get3A_165 = arith.constant 0 : index
          %get3A_166 = tpu.vector_load %arg7[%get3A_164, %get3A_165] {strides = array<i32>} : memref<256x32xf32, #tpu.memory_space<vmem>>, vector<1x16xf32>,
          %get3A_167 = vector.shape_cast %get3A_166 : vector<1x16xf32> to vector<16xf32>
          %mul3A_168 = arith.mulf %get3A_167, %gather3A_126 : vector<16xf32>
          %swap3A_169 = arith.index_cast %add3A_163 : i32 to index
          %swap3A_170 = arith.constant 0 : index
          %swap3A_171 = tpu.vector_load %arg7[%swap3A_169, %swap3A_170] {strides = array<i32>} : memref<256x32xf32, #tpu.memory_space<vmem>>, vector<1x16xf32>,
          %swap3A_172 = vector.shape_cast %swap3A_171 : vector<1x16xf32> to vector<16xf32>
          %swap3A_173 = vector.shape_cast %mul3A_168 : vector<16xf32> to vector<1x16xf32>
          tpu.vector_store %arg7[%swap3A_169, %swap3A_170], %swap3A_173 {strides = array<i32>} : memref<256x32xf32, #tpu.memory_space<vmem>>, vector<1x16xf32>,
          %get3A_174 = arith.index_cast %add3A_163 : i32 to index
          %get3A_175 = arith.constant 16 : index
          %get3A_176 = tpu.vector_load %arg7[%get3A_174, %get3A_175] {strides = array<i32>} : memref<256x32xf32, #tpu.memory_space<vmem>>, vector<1x16xf32>,
          %get3A_177 = vector.shape_cast %get3A_176 : vector<1x16xf32> to vector<16xf32>
          %mul3A_178 = arith.mulf %get3A_177, %gather3A_126 : vector<16xf32>
          %swap3A_179 = arith.index_cast %add3A_163 : i32 to index
          %swap3A_180 = arith.constant 16 : index
          %swap3A_181 = tpu.vector_load %arg7[%swap3A_179, %swap3A_180] {strides = array<i32>} : memref<256x32xf32, #tpu.memory_space<vmem>>, vector<1x16xf32>,
          %swap3A_182 = vector.shape_cast %swap3A_181 : vector<1x16xf32> to vector<16xf32>
          %swap3A_183 = vector.shape_cast %mul3A_178 : vector<16xf32> to vector<1x16xf32>
          tpu.vector_store %arg7[%swap3A_179, %swap3A_180], %swap3A_183 {strides = array<i32>} : memref<256x32xf32, #tpu.memory_space<vmem>>, vector<1x16xf32>,
          %mul3A_184 = arith.constant 8 : i32
          %mul3A_185 = arith.muli %scan3A_135, %mul3A_184 : i32
          %add3A_186 = arith.constant 2 : i32
          %add3A_187 = arith.addi %mul3A_185, %add3A_186 : i32
          %get3A_188 = arith.index_cast %add3A_187 : i32 to index
          %get3A_189 = arith.constant 0 : index
          %get3A_190 = tpu.vector_load %arg7[%get3A_188, %get3A_189] {strides = array<i32>} : memref<256x32xf32, #tpu.memory_space<vmem>>, vector<1x16xf32>,
          %get3A_191 = vector.shape_cast %get3A_190 : vector<1x16xf32> to vector<16xf32>
          %mul3A_192 = arith.mulf %get3A_191, %gather3A_126 : vector<16xf32>
          %swap3A_193 = arith.index_cast %add3A_187 : i32 to index
          %swap3A_194 = arith.constant 0 : index
          %swap3A_195 = tpu.vector_load %arg7[%swap3A_193, %swap3A_194] {strides = array<i32>} : memref<256x32xf32, #tpu.memory_space<vmem>>, vector<1x16xf32>,
          %swap3A_196 = vector.shape_cast %swap3A_195 : vector<1x16xf32> to vector<16xf32>
          %swap3A_197 = vector.shape_cast %mul3A_192 : vector<16xf32> to vector<1x16xf32>
          tpu.vector_store %arg7[%swap3A_193, %swap3A_194], %swap3A_197 {strides = array<i32>} : memref<256x32xf32, #tpu.memory_space<vmem>>, vector<1x16xf32>,
          %get3A_198 = arith.index_cast %add3A_187 : i32 to index
          %get3A_199 = arith.constant 16 : index
          %get3A_200 = tpu.vector_load %arg7[%get3A_198, %get3A_199] {strides = array<i32>} : memref<256x32xf32, #tpu.memory_space<vmem>>, vector<1x16xf32>,
          %get3A_201 = vector.shape_cast %get3A_200 : vector<1x16xf32> to vector<16xf32>
          %mul3A_202 = arith.mulf %get3A_201, %gather3A_126 : vector<16xf32>
          %swap3A_203 = arith.index_cast %add3A_187 : i32 to index
          %swap3A_204 = arith.constant 16 : index
          %swap3A_205 = tpu.vector_load %arg7[%swap3A_203, %swap3A_204] {strides = array<i32>} : memref<256x32xf32, #tpu.memory_space<vmem>>, vector<1x16xf32>,
          %swap3A_206 = vector.shape_cast %swap3A_205 : vector<1x16xf32> to vector<16xf32>
          %swap3A_207 = vector.shape_cast %mul3A_202 : vector<16xf32> to vector<1x16xf32>
          tpu.vector_store %arg7[%swap3A_203, %swap3A_204], %swap3A_207 {strides = array<i32>} : memref<256x32xf32, #tpu.memory_space<vmem>>, vector<1x16xf32>,
          %mul3A_208 = arith.constant 8 : i32
          %mul3A_209 = arith.muli %scan3A_135, %mul3A_208 : i32
          %add3A_210 = arith.constant 3 : i32
          %add3A_211 = arith.addi %mul3A_209, %add3A_210 : i32
          %get3A_212 = arith.index_cast %add3A_211 : i32 to index
          %get3A_213 = arith.constant 0 : index
          %get3A_214 = tpu.vector_load %arg7[%get3A_212, %get3A_213] {strides = array<i32>} : memref<256x32xf32, #tpu.memory_space<vmem>>, vector<1x16xf32>,
          %get3A_215 = vector.shape_cast %get3A_214 : vector<1x16xf32> to vector<16xf32>
          %mul3A_216 = arith.mulf %get3A_215, %gather3A_126 : vector<16xf32>
          %swap3A_217 = arith.index_cast %add3A_211 : i32 to index
          %swap3A_218 = arith.constant 0 : index
          %swap3A_219 = tpu.vector_load %arg7[%swap3A_217, %swap3A_218] {strides = array<i32>} : memref<256x32xf32, #tpu.memory_space<vmem>>, vector<1x16xf32>,
          %swap3A_220 = vector.shape_cast %swap3A_219 : vector<1x16xf32> to vector<16xf32>
          %swap3A_221 = vector.shape_cast %mul3A_216 : vector<16xf32> to vector<1x16xf32>
          tpu.vector_store %arg7[%swap3A_217, %swap3A_218], %swap3A_221 {strides = array<i32>} : memref<256x32xf32, #tpu.memory_space<vmem>>, vector<1x16xf32>,
          %get3A_222 = arith.index_cast %add3A_211 : i32 to index
          %get3A_223 = arith.constant 16 : index
          %get3A_224 = tpu.vector_load %arg7[%get3A_222, %get3A_223] {strides = array<i32>} : memref<256x32xf32, #tpu.memory_space<vmem>>, vector<1x16xf32>,
          %get3A_225 = vector.shape_cast %get3A_224 : vector<1x16xf32> to vector<16xf32>
          %mul3A_226 = arith.mulf %get3A_225, %gather3A_126 : vector<16xf32>
          %swap3A_227 = arith.index_cast %add3A_211 : i32 to index
          %swap3A_228 = arith.constant 16 : index
          %swap3A_229 = tpu.vector_load %arg7[%swap3A_227, %swap3A_228] {strides = array<i32>} : memref<256x32xf32, #tpu.memory_space<vmem>>, vector<1x16xf32>,
          %swap3A_230 = vector.shape_cast %swap3A_229 : vector<1x16xf32> to vector<16xf32>
          %swap3A_231 = vector.shape_cast %mul3A_226 : vector<16xf32> to vector<1x16xf32>
          tpu.vector_store %arg7[%swap3A_227, %swap3A_228], %swap3A_231 {strides = array<i32>} : memref<256x32xf32, #tpu.memory_space<vmem>>, vector<1x16xf32>,
          %mul3A_232 = arith.constant 8 : i32
          %mul3A_233 = arith.muli %scan3A_135, %mul3A_232 : i32
          %add3A_234 = arith.constant 4 : i32
          %add3A_235 = arith.addi %mul3A_233, %add3A_234 : i32
          %get3A_236 = arith.index_cast %add3A_235 : i32 to index
          %get3A_237 = arith.constant 0 : index
          %get3A_238 = tpu.vector_load %arg7[%get3A_236, %get3A_237] {strides = array<i32>} : memref<256x32xf32, #tpu.memory_space<vmem>>, vector<1x16xf32>,
          %get3A_239 = vector.shape_cast %get3A_238 : vector<1x16xf32> to vector<16xf32>
          %mul3A_240 = arith.mulf %get3A_239, %gather3A_126 : vector<16xf32>
          %swap3A_241 = arith.index_cast %add3A_235 : i32 to index
          %swap3A_242 = arith.constant 0 : index
          %swap3A_243 = tpu.vector_load %arg7[%swap3A_241, %swap3A_242] {strides = array<i32>} : memref<256x32xf32, #tpu.memory_space<vmem>>, vector<1x16xf32>,
          %swap3A_244 = vector.shape_cast %swap3A_243 : vector<1x16xf32> to vector<16xf32>
          %swap3A_245 = vector.shape_cast %mul3A_240 : vector<16xf32> to vector<1x16xf32>
          tpu.vector_store %arg7[%swap3A_241, %swap3A_242], %swap3A_245 {strides = array<i32>} : memref<256x32xf32, #tpu.memory_space<vmem>>, vector<1x16xf32>,
          %get3A_246 = arith.index_cast %add3A_235 : i32 to index
          %get3A_247 = arith.constant 16 : index
          %get3A_248 = tpu.vector_load %arg7[%get3A_246, %get3A_247] {strides = array<i32>} : memref<256x32xf32, #tpu.memory_space<vmem>>, vector<1x16xf32>,
          %get3A_249 = vector.shape_cast %get3A_248 : vector<1x16xf32> to vector<16xf32>
          %mul3A_250 = arith.mulf %get3A_249, %gather3A_126 : vector<16xf32>
          %swap3A_251 = arith.index_cast %add3A_235 : i32 to index
          %swap3A_252 = arith.constant 16 : index
          %swap3A_253 = tpu.vector_load %arg7[%swap3A_251, %swap3A_252] {strides = array<i32>} : memref<256x32xf32, #tpu.memory_space<vmem>>, vector<1x16xf32>,
          %swap3A_254 = vector.shape_cast %swap3A_253 : vector<1x16xf32> to vector<16xf32>
          %swap3A_255 = vector.shape_cast %mul3A_250 : vector<16xf32> to vector<1x16xf32>
          tpu.vector_store %arg7[%swap3A_251, %swap3A_252], %swap3A_255 {strides = array<i32>} : memref<256x32xf32, #tpu.memory_space<vmem>>, vector<1x16xf32>,
          %mul3A_256 = arith.constant 8 : i32
          %mul3A_257 = arith.muli %scan3A_135, %mul3A_256 : i32
          %add3A_258 = arith.constant 5 : i32
          %add3A_259 = arith.addi %mul3A_257, %add3A_258 : i32
          %get3A_260 = arith.index_cast %add3A_259 : i32 to index
          %get3A_261 = arith.constant 0 : index
          %get3A_262 = tpu.vector_load %arg7[%get3A_260, %get3A_261] {strides = array<i32>} : memref<256x32xf32, #tpu.memory_space<vmem>>, vector<1x16xf32>,
          %get3A_263 = vector.shape_cast %get3A_262 : vector<1x16xf32> to vector<16xf32>
          %mul3A_264 = arith.mulf %get3A_263, %gather3A_126 : vector<16xf32>
          %swap3A_265 = arith.index_cast %add3A_259 : i32 to index
          %swap3A_266 = arith.constant 0 : index
          %swap3A_267 = tpu.vector_load %arg7[%swap3A_265, %swap3A_266] {strides = array<i32>} : memref<256x32xf32, #tpu.memory_space<vmem>>, vector<1x16xf32>,
          %swap3A_268 = vector.shape_cast %swap3A_267 : vector<1x16xf32> to vector<16xf32>
          %swap3A_269 = vector.shape_cast %mul3A_264 : vector<16xf32> to vector<1x16xf32>
          tpu.vector_store %arg7[%swap3A_265, %swap3A_266], %swap3A_269 {strides = array<i32>} : memref<256x32xf32, #tpu.memory_space<vmem>>, vector<1x16xf32>,
          %get3A_270 = arith.index_cast %add3A_259 : i32 to index
          %get3A_271 = arith.constant 16 : index
          %get3A_272 = tpu.vector_load %arg7[%get3A_270, %get3A_271] {strides = array<i32>} : memref<256x32xf32, #tpu.memory_space<vmem>>, vector<1x16xf32>,
          %get3A_273 = vector.shape_cast %get3A_272 : vector<1x16xf32> to vector<16xf32>
          %mul3A_274 = arith.mulf %get3A_273, %gather3A_126 : vector<16xf32>
          %swap3A_275 = arith.index_cast %add3A_259 : i32 to index
          %swap3A_276 = arith.constant 16 : index
          %swap3A_277 = tpu.vector_load %arg7[%swap3A_275, %swap3A_276] {strides = array<i32>} : memref<256x32xf32, #tpu.memory_space<vmem>>, vector<1x16xf32>,
          %swap3A_278 = vector.shape_cast %swap3A_277 : vector<1x16xf32> to vector<16xf32>
          %swap3A_279 = vector.shape_cast %mul3A_274 : vector<16xf32> to vector<1x16xf32>
          tpu.vector_store %arg7[%swap3A_275, %swap3A_276], %swap3A_279 {strides = array<i32>} : memref<256x32xf32, #tpu.memory_space<vmem>>, vector<1x16xf32>,
          %mul3A_280 = arith.constant 8 : i32
          %mul3A_281 = arith.muli %scan3A_135, %mul3A_280 : i32
          %add3A_282 = arith.constant 6 : i32
          %add3A_283 = arith.addi %mul3A_281, %add3A_282 : i32
          %get3A_284 = arith.index_cast %add3A_283 : i32 to index
          %get3A_285 = arith.constant 0 : index
          %get3A_286 = tpu.vector_load %arg7[%get3A_284, %get3A_285] {strides = array<i32>} : memref<256x32xf32, #tpu.memory_space<vmem>>, vector<1x16xf32>,
          %get3A_287 = vector.shape_cast %get3A_286 : vector<1x16xf32> to vector<16xf32>
          %mul3A_288 = arith.mulf %get3A_287, %gather3A_126 : vector<16xf32>
          %swap3A_289 = arith.index_cast %add3A_283 : i32 to index
          %swap3A_290 = arith.constant 0 : index
          %swap3A_291 = tpu.vector_load %arg7[%swap3A_289, %swap3A_290] {strides = array<i32>} : memref<256x32xf32, #tpu.memory_space<vmem>>, vector<1x16xf32>,
          %swap3A_292 = vector.shape_cast %swap3A_291 : vector<1x16xf32> to vector<16xf32>
          %swap3A_293 = vector.shape_cast %mul3A_288 : vector<16xf32> to vector<1x16xf32>
          tpu.vector_store %arg7[%swap3A_289, %swap3A_290], %swap3A_293 {strides = array<i32>} : memref<256x32xf32, #tpu.memory_space<vmem>>, vector<1x16xf32>,
          %get3A_294 = arith.index_cast %add3A_283 : i32 to index
          %get3A_295 = arith.constant 16 : index
          %get3A_296 = tpu.vector_load %arg7[%get3A_294, %get3A_295] {strides = array<i32>} : memref<256x32xf32, #tpu.memory_space<vmem>>, vector<1x16xf32>,
          %get3A_297 = vector.shape_cast %get3A_296 : vector<1x16xf32> to vector<16xf32>
          %mul3A_298 = arith.mulf %get3A_297, %gather3A_126 : vector<16xf32>
          %swap3A_299 = arith.index_cast %add3A_283 : i32 to index
          %swap3A_300 = arith.constant 16 : index
          %swap3A_301 = tpu.vector_load %arg7[%swap3A_299, %swap3A_300] {strides = array<i32>} : memref<256x32xf32, #tpu.memory_space<vmem>>, vector<1x16xf32>,
          %swap3A_302 = vector.shape_cast %swap3A_301 : vector<1x16xf32> to vector<16xf32>
          %swap3A_303 = vector.shape_cast %mul3A_298 : vector<16xf32> to vector<1x16xf32>
          tpu.vector_store %arg7[%swap3A_299, %swap3A_300], %swap3A_303 {strides = array<i32>} : memref<256x32xf32, #tpu.memory_space<vmem>>, vector<1x16xf32>,
          %mul3A_304 = arith.constant 8 : i32
          %mul3A_305 = arith.muli %scan3A_135, %mul3A_304 : i32
          %add3A_306 = arith.constant 7 : i32
          %add3A_307 = arith.addi %mul3A_305, %add3A_306 : i32
          %get3A_308 = arith.index_cast %add3A_307 : i32 to index
          %get3A_309 = arith.constant 0 : index
          %get3A_310 = tpu.vector_load %arg7[%get3A_308, %get3A_309] {strides = array<i32>} : memref<256x32xf32, #tpu.memory_space<vmem>>, vector<1x16xf32>,
          %get3A_311 = vector.shape_cast %get3A_310 : vector<1x16xf32> to vector<16xf32>
          %mul3A_312 = arith.mulf %get3A_311, %gather3A_126 : vector<16xf32>
          %swap3A_313 = arith.index_cast %add3A_307 : i32 to index
          %swap3A_314 = arith.constant 0 : index
          %swap3A_315 = tpu.vector_load %arg7[%swap3A_313, %swap3A_314] {strides = array<i32>} : memref<256x32xf32, #tpu.memory_space<vmem>>, vector<1x16xf32>,
          %swap3A_316 = vector.shape_cast %swap3A_315 : vector<1x16xf32> to vector<16xf32>
          %swap3A_317 = vector.shape_cast %mul3A_312 : vector<16xf32> to vector<1x16xf32>
          tpu.vector_store %arg7[%swap3A_313, %swap3A_314], %swap3A_317 {strides = array<i32>} : memref<256x32xf32, #tpu.memory_space<vmem>>, vector<1x16xf32>,
          %get3A_318 = arith.index_cast %add3A_307 : i32 to index
          %get3A_319 = arith.constant 16 : index
          %get3A_320 = tpu.vector_load %arg7[%get3A_318, %get3A_319] {strides = array<i32>} : memref<256x32xf32, #tpu.memory_space<vmem>>, vector<1x16xf32>,
          %get3A_321 = vector.shape_cast %get3A_320 : vector<1x16xf32> to vector<16xf32>
          %mul3A_322 = arith.mulf %get3A_321, %gather3A_126 : vector<16xf32>
          %swap3A_323 = arith.index_cast %add3A_307 : i32 to index
          %swap3A_324 = arith.constant 16 : index
          %swap3A_325 = tpu.vector_load %arg7[%swap3A_323, %swap3A_324] {strides = array<i32>} : memref<256x32xf32, #tpu.memory_space<vmem>>, vector<1x16xf32>,
          %swap3A_326 = vector.shape_cast %swap3A_325 : vector<1x16xf32> to vector<16xf32>
          %swap3A_327 = vector.shape_cast %mul3A_322 : vector<16xf32> to vector<1x16xf32>
          tpu.vector_store %arg7[%swap3A_323, %swap3A_324], %swap3A_327 {strides = array<i32>} : memref<256x32xf32, #tpu.memory_space<vmem>>, vector<1x16xf32>,
          %scan3A_328 = arith.constant 0 : i32
          scf.yield %scan3A_328 : i32
        }
        %scan3A_133 = arith.constant 32 : i32
        %cond3A_134 = arith.constant 0 : i32
        scf.yield %cond3A_134 : i32
      } else {
        %scan3A_119 = arith.constant 0 : i32
        %scan3A_120 = arith.constant 0 : i32
        %scan3A_121 = arith.constant 16 : i32
        %scan3A_122 = arith.addi %scan3A_120, %scan3A_121 : i32
        %scan3A_123 = arith.constant 1 : i32
        %scan3A_124 = scf.for %scan3A_127 = %scan3A_120 to %scan3A_122 step %scan3A_123 iter_args(%scan3A_128 = %scan3A_119) -> (i32)  : i32 {
          %mul3A_129 = arith.constant 16 : i32
          %mul3A_130 = arith.muli %scan3A_127, %mul3A_129 : i32
          %get3A_131 = arith.index_cast %mul3A_130 : i32 to index
          %get3A_132 = tpu.vector_load %arg9[%get3A_131] {strides = array<i32>} : memref<256xi32, #tpu.memory_space<vmem>>, vector<16xi32>,
          %get3A_133 = vector.shape_cast %get3A_132 : vector<16xi32> to vector<16xi32>
          %lt3A_134 = arith.constant 0 : i32
          %lt3A_135 = vector.broadcast %lt3A_134 : i32 to vector<16xi32>
          %lt3A_136 = arith.cmpi slt, %get3A_133, %lt3A_135 : vector<16xi32>
          %add3A_137 = arith.constant 16 : i32
          %add3A_138 = vector.broadcast %add3A_137 : i32 to vector<16xi32>
          %add3A_139 = arith.addi %get3A_133, %add3A_138 : vector<16xi32>
          %select_n3A = arith.select %lt3A_136, %add3A_139, %get3A_133 : vector<16xi1>, vector<16xi32>
          %broadcast_in_dim3A = vector.shape_cast %select_n3A : vector<16xi32> to vector<16x1xi32>
          %gather3A = vector.shape_cast %broadcast_in_dim3A : vector<16x1xi32> to vector<16xi32>
          %gather3A_140 = tpu.dynamic_gather %div3A_10[%gather3A] in [0] : vector<16xf32>, vector<16xi32> -> vector<16xf32>
          %slice3A_141 = vector.extract_strided_slice %gather3A_140 {offsets = [0], sizes = [1], strides = [1]} : vector<16xf32> to vector<1xf32>
          %squeeze3A_142 = vector.extract %slice3A_141[0] : f32 from vector<1xf32>
          %add3A_143 = arith.constant 0 : i32
          %add3A_144 = arith.addi %mul3A_130, %add3A_143 : i32
          %get3A_145 = arith.index_cast %add3A_144 : i32 to index
          %get3A_146 = arith.constant 0 : index
          %get3A_147 = tpu.vector_load %arg7[%get3A_145, %get3A_146] {strides = array<i32>} : memref<256x32xf32, #tpu.memory_space<vmem>>, vector<1x16xf32>,
          %get3A_148 = vector.shape_cast %get3A_147 : vector<1x16xf32> to vector<16xf32>
          %mul3A_149 = vector.broadcast %squeeze3A_142 : f32 to vector<16xf32>
          %mul3A_150 = arith.mulf %get3A_148, %mul3A_149 : vector<16xf32>
          %swap3A = arith.index_cast %add3A_144 : i32 to index
          %swap3A_151 = arith.constant 0 : index
          %swap3A_152 = tpu.vector_load %arg7[%swap3A, %swap3A_151] {strides = array<i32>} : memref<256x32xf32, #tpu.memory_space<vmem>>, vector<1x16xf32>,
          %swap3A_153 = vector.shape_cast %swap3A_152 : vector<1x16xf32> to vector<16xf32>
          %swap3A_154 = vector.shape_cast %mul3A_150 : vector<16xf32> to vector<1x16xf32>
          tpu.vector_store %arg7[%swap3A, %swap3A_151], %swap3A_154 {strides = array<i32>} : memref<256x32xf32, #tpu.memory_space<vmem>>, vector<1x16xf32>,
          %get3A_155 = arith.index_cast %add3A_144 : i32 to index
          %get3A_156 = arith.constant 16 : index
          %get3A_157 = tpu.vector_load %arg7[%get3A_155, %get3A_156] {strides = array<i32>} : memref<256x32xf32, #tpu.memory_space<vmem>>, vector<1x16xf32>,
          %get3A_158 = vector.shape_cast %get3A_157 : vector<1x16xf32> to vector<16xf32>
          %mul3A_159 = vector.broadcast %squeeze3A_142 : f32 to vector<16xf32>
          %mul3A_160 = arith.mulf %get3A_158, %mul3A_159 : vector<16xf32>
          %swap3A_161 = arith.index_cast %add3A_144 : i32 to index
          %swap3A_162 = arith.constant 16 : index
          %swap3A_163 = tpu.vector_load %arg7[%swap3A_161, %swap3A_162] {strides = array<i32>} : memref<256x32xf32, #tpu.memory_space<vmem>>, vector<1x16xf32>,
          %swap3A_164 = vector.shape_cast %swap3A_163 : vector<1x16xf32> to vector<16xf32>
          %swap3A_165 = vector.shape_cast %mul3A_160 : vector<16xf32> to vector<1x16xf32>
          tpu.vector_store %arg7[%swap3A_161, %swap3A_162], %swap3A_165 {strides = array<i32>} : memref<256x32xf32, #tpu.memory_space<vmem>>, vector<1x16xf32>,
          %slice3A_166 = vector.extract_strided_slice %gather3A_140 {offsets = [1], sizes = [1], strides = [1]} : vector<16xf32> to vector<1xf32>
          %squeeze3A_167 = vector.extract %slice3A_166[0] : f32 from vector<1xf32>
          %add3A_168 = arith.constant 1 : i32
          %add3A_169 = arith.addi %mul3A_130, %add3A_168 : i32
          %get3A_170 = arith.index_cast %add3A_169 : i32 to index
          %get3A_171 = arith.constant 0 : index
          %get3A_172 = tpu.vector_load %arg7[%get3A_170, %get3A_171] {strides = array<i32>} : memref<256x32xf32, #tpu.memory_space<vmem>>, vector<1x16xf32>,
          %get3A_173 = vector.shape_cast %get3A_172 : vector<1x16xf32> to vector<16xf32>
          %mul3A_174 = vector.broadcast %squeeze3A_167 : f32 to vector<16xf32>
          %mul3A_175 = arith.mulf %get3A_173, %mul3A_174 : vector<16xf32>
          %swap3A_176 = arith.index_cast %add3A_169 : i32 to index
          %swap3A_177 = arith.constant 0 : index
          %swap3A_178 = tpu.vector_load %arg7[%swap3A_176, %swap3A_177] {strides = array<i32>} : memref<256x32xf32, #tpu.memory_space<vmem>>, vector<1x16xf32>,
          %swap3A_179 = vector.shape_cast %swap3A_178 : vector<1x16xf32> to vector<16xf32>
          %swap3A_180 = vector.shape_cast %mul3A_175 : vector<16xf32> to vector<1x16xf32>
          tpu.vector_store %arg7[%swap3A_176, %swap3A_177], %swap3A_180 {strides = array<i32>} : memref<256x32xf32, #tpu.memory_space<vmem>>, vector<1x16xf32>,
          %get3A_181 = arith.index_cast %add3A_169 : i32 to index
          %get3A_182 = arith.constant 16 : index
          %get3A_183 = tpu.vector_load %arg7[%get3A_181, %get3A_182] {strides = array<i32>} : memref<256x32xf32, #tpu.memory_space<vmem>>, vector<1x16xf32>,
          %get3A_184 = vector.shape_cast %get3A_183 : vector<1x16xf32> to vector<16xf32>
          %mul3A_185 = vector.broadcast %squeeze3A_167 : f32 to vector<16xf32>
          %mul3A_186 = arith.mulf %get3A_184, %mul3A_185 : vector<16xf32>
          %swap3A_187 = arith.index_cast %add3A_169 : i32 to index
          %swap3A_188 = arith.constant 16 : index
          %swap3A_189 = tpu.vector_load %arg7[%swap3A_187, %swap3A_188] {strides = array<i32>} : memref<256x32xf32, #tpu.memory_space<vmem>>, vector<1x16xf32>,
          %swap3A_190 = vector.shape_cast %swap3A_189 : vector<1x16xf32> to vector<16xf32>
          %swap3A_191 = vector.shape_cast %mul3A_186 : vector<16xf32> to vector<1x16xf32>
          tpu.vector_store %arg7[%swap3A_187, %swap3A_188], %swap3A_191 {strides = array<i32>} : memref<256x32xf32, #tpu.memory_space<vmem>>, vector<1x16xf32>,
          %slice3A_192 = vector.extract_strided_slice %gather3A_140 {offsets = [2], sizes = [1], strides = [1]} : vector<16xf32> to vector<1xf32>
          %squeeze3A_193 = vector.extract %slice3A_192[0] : f32 from vector<1xf32>
          %add3A_194 = arith.constant 2 : i32
          %add3A_195 = arith.addi %mul3A_130, %add3A_194 : i32
          %get3A_196 = arith.index_cast %add3A_195 : i32 to index
          %get3A_197 = arith.constant 0 : index
          %get3A_198 = tpu.vector_load %arg7[%get3A_196, %get3A_197] {strides = array<i32>} : memref<256x32xf32, #tpu.memory_space<vmem>>, vector<1x16xf32>,
          %get3A_199 = vector.shape_cast %get3A_198 : vector<1x16xf32> to vector<16xf32>
          %mul3A_200 = vector.broadcast %squeeze3A_193 : f32 to vector<16xf32>
          %mul3A_201 = arith.mulf %get3A_199, %mul3A_200 : vector<16xf32>
          %swap3A_202 = arith.index_cast %add3A_195 : i32 to index
          %swap3A_203 = arith.constant 0 : index
          %swap3A_204 = tpu.vector_load %arg7[%swap3A_202, %swap3A_203] {strides = array<i32>} : memref<256x32xf32, #tpu.memory_space<vmem>>, vector<1x16xf32>,
          %swap3A_205 = vector.shape_cast %swap3A_204 : vector<1x16xf32> to vector<16xf32>
          %swap3A_206 = vector.shape_cast %mul3A_201 : vector<16xf32> to vector<1x16xf32>
          tpu.vector_store %arg7[%swap3A_202, %swap3A_203], %swap3A_206 {strides = array<i32>} : memref<256x32xf32, #tpu.memory_space<vmem>>, vector<1x16xf32>,
          %get3A_207 = arith.index_cast %add3A_195 : i32 to index
          %get3A_208 = arith.constant 16 : index
          %get3A_209 = tpu.vector_load %arg7[%get3A_207, %get3A_208] {strides = array<i32>} : memref<256x32xf32, #tpu.memory_space<vmem>>, vector<1x16xf32>,
          %get3A_210 = vector.shape_cast %get3A_209 : vector<1x16xf32> to vector<16xf32>
          %mul3A_211 = vector.broadcast %squeeze3A_193 : f32 to vector<16xf32>
          %mul3A_212 = arith.mulf %get3A_210, %mul3A_211 : vector<16xf32>
          %swap3A_213 = arith.index_cast %add3A_195 : i32 to index
          %swap3A_214 = arith.constant 16 : index
          %swap3A_215 = tpu.vector_load %arg7[%swap3A_213, %swap3A_214] {strides = array<i32>} : memref<256x32xf32, #tpu.memory_space<vmem>>, vector<1x16xf32>,
          %swap3A_216 = vector.shape_cast %swap3A_215 : vector<1x16xf32> to vector<16xf32>
          %swap3A_217 = vector.shape_cast %mul3A_212 : vector<16xf32> to vector<1x16xf32>
          tpu.vector_store %arg7[%swap3A_213, %swap3A_214], %swap3A_217 {strides = array<i32>} : memref<256x32xf32, #tpu.memory_space<vmem>>, vector<1x16xf32>,
          %slice3A_218 = vector.extract_strided_slice %gather3A_140 {offsets = [3], sizes = [1], strides = [1]} : vector<16xf32> to vector<1xf32>
          %squeeze3A_219 = vector.extract %slice3A_218[0] : f32 from vector<1xf32>
          %add3A_220 = arith.constant 3 : i32
          %add3A_221 = arith.addi %mul3A_130, %add3A_220 : i32
          %get3A_222 = arith.index_cast %add3A_221 : i32 to index
          %get3A_223 = arith.constant 0 : index
          %get3A_224 = tpu.vector_load %arg7[%get3A_222, %get3A_223] {strides = array<i32>} : memref<256x32xf32, #tpu.memory_space<vmem>>, vector<1x16xf32>,
          %get3A_225 = vector.shape_cast %get3A_224 : vector<1x16xf32> to vector<16xf32>
          %mul3A_226 = vector.broadcast %squeeze3A_219 : f32 to vector<16xf32>
          %mul3A_227 = arith.mulf %get3A_225, %mul3A_226 : vector<16xf32>
          %swap3A_228 = arith.index_cast %add3A_221 : i32 to index
          %swap3A_229 = arith.constant 0 : index
          %swap3A_230 = tpu.vector_load %arg7[%swap3A_228, %swap3A_229] {strides = array<i32>} : memref<256x32xf32, #tpu.memory_space<vmem>>, vector<1x16xf32>,
          %swap3A_231 = vector.shape_cast %swap3A_230 : vector<1x16xf32> to vector<16xf32>
          %swap3A_232 = vector.shape_cast %mul3A_227 : vector<16xf32> to vector<1x16xf32>
          tpu.vector_store %arg7[%swap3A_228, %swap3A_229], %swap3A_232 {strides = array<i32>} : memref<256x32xf32, #tpu.memory_space<vmem>>, vector<1x16xf32>,
          %get3A_233 = arith.index_cast %add3A_221 : i32 to index
          %get3A_234 = arith.constant 16 : index
          %get3A_235 = tpu.vector_load %arg7[%get3A_233, %get3A_234] {strides = array<i32>} : memref<256x32xf32, #tpu.memory_space<vmem>>, vector<1x16xf32>,
          %get3A_236 = vector.shape_cast %get3A_235 : vector<1x16xf32> to vector<16xf32>
          %mul3A_237 = vector.broadcast %squeeze3A_219 : f32 to vector<16xf32>
          %mul3A_238 = arith.mulf %get3A_236, %mul3A_237 : vector<16xf32>
          %swap3A_239 = arith.index_cast %add3A_221 : i32 to index
          %swap3A_240 = arith.constant 16 : index
          %swap3A_241 = tpu.vector_load %arg7[%swap3A_239, %swap3A_240] {strides = array<i32>} : memref<256x32xf32, #tpu.memory_space<vmem>>, vector<1x16xf32>,
          %swap3A_242 = vector.shape_cast %swap3A_241 : vector<1x16xf32> to vector<16xf32>
          %swap3A_243 = vector.shape_cast %mul3A_238 : vector<16xf32> to vector<1x16xf32>
          tpu.vector_store %arg7[%swap3A_239, %swap3A_240], %swap3A_243 {strides = array<i32>} : memref<256x32xf32, #tpu.memory_space<vmem>>, vector<1x16xf32>,
          %slice3A_244 = vector.extract_strided_slice %gather3A_140 {offsets = [4], sizes = [1], strides = [1]} : vector<16xf32> to vector<1xf32>
          %squeeze3A_245 = vector.extract %slice3A_244[0] : f32 from vector<1xf32>
          %add3A_246 = arith.constant 4 : i32
          %add3A_247 = arith.addi %mul3A_130, %add3A_246 : i32
          %get3A_248 = arith.index_cast %add3A_247 : i32 to index
          %get3A_249 = arith.constant 0 : index
          %get3A_250 = tpu.vector_load %arg7[%get3A_248, %get3A_249] {strides = array<i32>} : memref<256x32xf32, #tpu.memory_space<vmem>>, vector<1x16xf32>,
          %get3A_251 = vector.shape_cast %get3A_250 : vector<1x16xf32> to vector<16xf32>
          %mul3A_252 = vector.broadcast %squeeze3A_245 : f32 to vector<16xf32>
          %mul3A_253 = arith.mulf %get3A_251, %mul3A_252 : vector<16xf32>
          %swap3A_254 = arith.index_cast %add3A_247 : i32 to index
          %swap3A_255 = arith.constant 0 : index
          %swap3A_256 = tpu.vector_load %arg7[%swap3A_254, %swap3A_255] {strides = array<i32>} : memref<256x32xf32, #tpu.memory_space<vmem>>, vector<1x16xf32>,
          %swap3A_257 = vector.shape_cast %swap3A_256 : vector<1x16xf32> to vector<16xf32>
          %swap3A_258 = vector.shape_cast %mul3A_253 : vector<16xf32> to vector<1x16xf32>
          tpu.vector_store %arg7[%swap3A_254, %swap3A_255], %swap3A_258 {strides = array<i32>} : memref<256x32xf32, #tpu.memory_space<vmem>>, vector<1x16xf32>,
          %get3A_259 = arith.index_cast %add3A_247 : i32 to index
          %get3A_260 = arith.constant 16 : index
          %get3A_261 = tpu.vector_load %arg7[%get3A_259, %get3A_260] {strides = array<i32>} : memref<256x32xf32, #tpu.memory_space<vmem>>, vector<1x16xf32>,
          %get3A_262 = vector.shape_cast %get3A_261 : vector<1x16xf32> to vector<16xf32>
          %mul3A_263 = vector.broadcast %squeeze3A_245 : f32 to vector<16xf32>
          %mul3A_264 = arith.mulf %get3A_262, %mul3A_263 : vector<16xf32>
          %swap3A_265 = arith.index_cast %add3A_247 : i32 to index
          %swap3A_266 = arith.constant 16 : index
          %swap3A_267 = tpu.vector_load %arg7[%swap3A_265, %swap3A_266] {strides = array<i32>} : memref<256x32xf32, #tpu.memory_space<vmem>>, vector<1x16xf32>,
          %swap3A_268 = vector.shape_cast %swap3A_267 : vector<1x16xf32> to vector<16xf32>
          %swap3A_269 = vector.shape_cast %mul3A_264 : vector<16xf32> to vector<1x16xf32>
          tpu.vector_store %arg7[%swap3A_265, %swap3A_266], %swap3A_269 {strides = array<i32>} : memref<256x32xf32, #tpu.memory_space<vmem>>, vector<1x16xf32>,
          %slice3A_270 = vector.extract_strided_slice %gather3A_140 {offsets = [5], sizes = [1], strides = [1]} : vector<16xf32> to vector<1xf32>
          %squeeze3A_271 = vector.extract %slice3A_270[0] : f32 from vector<1xf32>
          %add3A_272 = arith.constant 5 : i32
          %add3A_273 = arith.addi %mul3A_130, %add3A_272 : i32
          %get3A_274 = arith.index_cast %add3A_273 : i32 to index
          %get3A_275 = arith.constant 0 : index
          %get3A_276 = tpu.vector_load %arg7[%get3A_274, %get3A_275] {strides = array<i32>} : memref<256x32xf32, #tpu.memory_space<vmem>>, vector<1x16xf32>,
          %get3A_277 = vector.shape_cast %get3A_276 : vector<1x16xf32> to vector<16xf32>
          %mul3A_278 = vector.broadcast %squeeze3A_271 : f32 to vector<16xf32>
          %mul3A_279 = arith.mulf %get3A_277, %mul3A_278 : vector<16xf32>
          %swap3A_280 = arith.index_cast %add3A_273 : i32 to index
          %swap3A_281 = arith.constant 0 : index
          %swap3A_282 = tpu.vector_load %arg7[%swap3A_280, %swap3A_281] {strides = array<i32>} : memref<256x32xf32, #tpu.memory_space<vmem>>, vector<1x16xf32>,
          %swap3A_283 = vector.shape_cast %swap3A_282 : vector<1x16xf32> to vector<16xf32>
          %swap3A_284 = vector.shape_cast %mul3A_279 : vector<16xf32> to vector<1x16xf32>
          tpu.vector_store %arg7[%swap3A_280, %swap3A_281], %swap3A_284 {strides = array<i32>} : memref<256x32xf32, #tpu.memory_space<vmem>>, vector<1x16xf32>,
          %get3A_285 = arith.index_cast %add3A_273 : i32 to index
          %get3A_286 = arith.constant 16 : index
          %get3A_287 = tpu.vector_load %arg7[%get3A_285, %get3A_286] {strides = array<i32>} : memref<256x32xf32, #tpu.memory_space<vmem>>, vector<1x16xf32>,
          %get3A_288 = vector.shape_cast %get3A_287 : vector<1x16xf32> to vector<16xf32>
          %mul3A_289 = vector.broadcast %squeeze3A_271 : f32 to vector<16xf32>
          %mul3A_290 = arith.mulf %get3A_288, %mul3A_289 : vector<16xf32>
          %swap3A_291 = arith.index_cast %add3A_273 : i32 to index
          %swap3A_292 = arith.constant 16 : index
          %swap3A_293 = tpu.vector_load %arg7[%swap3A_291, %swap3A_292] {strides = array<i32>} : memref<256x32xf32, #tpu.memory_space<vmem>>, vector<1x16xf32>,
          %swap3A_294 = vector.shape_cast %swap3A_293 : vector<1x16xf32> to vector<16xf32>
          %swap3A_295 = vector.shape_cast %mul3A_290 : vector<16xf32> to vector<1x16xf32>
          tpu.vector_store %arg7[%swap3A_291, %swap3A_292], %swap3A_295 {strides = array<i32>} : memref<256x32xf32, #tpu.memory_space<vmem>>, vector<1x16xf32>,
          %slice3A_296 = vector.extract_strided_slice %gather3A_140 {offsets = [6], sizes = [1], strides = [1]} : vector<16xf32> to vector<1xf32>
          %squeeze3A_297 = vector.extract %slice3A_296[0] : f32 from vector<1xf32>
          %add3A_298 = arith.constant 6 : i32
          %add3A_299 = arith.addi %mul3A_130, %add3A_298 : i32
          %get3A_300 = arith.index_cast %add3A_299 : i32 to index
          %get3A_301 = arith.constant 0 : index
          %get3A_302 = tpu.vector_load %arg7[%get3A_300, %get3A_301] {strides = array<i32>} : memref<256x32xf32, #tpu.memory_space<vmem>>, vector<1x16xf32>,
          %get3A_303 = vector.shape_cast %get3A_302 : vector<1x16xf32> to vector<16xf32>
          %mul3A_304 = vector.broadcast %squeeze3A_297 : f32 to vector<16xf32>
          %mul3A_305 = arith.mulf %get3A_303, %mul3A_304 : vector<16xf32>
          %swap3A_306 = arith.index_cast %add3A_299 : i32 to index
          %swap3A_307 = arith.constant 0 : index
          %swap3A_308 = tpu.vector_load %arg7[%swap3A_306, %swap3A_307] {strides = array<i32>} : memref<256x32xf32, #tpu.memory_space<vmem>>, vector<1x16xf32>,
          %swap3A_309 = vector.shape_cast %swap3A_308 : vector<1x16xf32> to vector<16xf32>
          %swap3A_310 = vector.shape_cast %mul3A_305 : vector<16xf32> to vector<1x16xf32>
          tpu.vector_store %arg7[%swap3A_306, %swap3A_307], %swap3A_310 {strides = array<i32>} : memref<256x32xf32, #tpu.memory_space<vmem>>, vector<1x16xf32>,
          %get3A_311 = arith.index_cast %add3A_299 : i32 to index
          %get3A_312 = arith.constant 16 : index
          %get3A_313 = tpu.vector_load %arg7[%get3A_311, %get3A_312] {strides = array<i32>} : memref<256x32xf32, #tpu.memory_space<vmem>>, vector<1x16xf32>,
          %get3A_314 = vector.shape_cast %get3A_313 : vector<1x16xf32> to vector<16xf32>
          %mul3A_315 = vector.broadcast %squeeze3A_297 : f32 to vector<16xf32>
          %mul3A_316 = arith.mulf %get3A_314, %mul3A_315 : vector<16xf32>
          %swap3A_317 = arith.index_cast %add3A_299 : i32 to index
          %swap3A_318 = arith.constant 16 : index
          %swap3A_319 = tpu.vector_load %arg7[%swap3A_317, %swap3A_318] {strides = array<i32>} : memref<256x32xf32, #tpu.memory_space<vmem>>, vector<1x16xf32>,
          %swap3A_320 = vector.shape_cast %swap3A_319 : vector<1x16xf32> to vector<16xf32>
          %swap3A_321 = vector.shape_cast %mul3A_316 : vector<16xf32> to vector<1x16xf32>
          tpu.vector_store %arg7[%swap3A_317, %swap3A_318], %swap3A_321 {strides = array<i32>} : memref<256x32xf32, #tpu.memory_space<vmem>>, vector<1x16xf32>,
          %slice3A_322 = vector.extract_strided_slice %gather3A_140 {offsets = [7], sizes = [1], strides = [1]} : vector<16xf32> to vector<1xf32>
          %squeeze3A_323 = vector.extract %slice3A_322[0] : f32 from vector<1xf32>
          %add3A_324 = arith.constant 7 : i32
          %add3A_325 = arith.addi %mul3A_130, %add3A_324 : i32
          %get3A_326 = arith.index_cast %add3A_325 : i32 to index
          %get3A_327 = arith.constant 0 : index
          %get3A_328 = tpu.vector_load %arg7[%get3A_326, %get3A_327] {strides = array<i32>} : memref<256x32xf32, #tpu.memory_space<vmem>>, vector<1x16xf32>,
          %get3A_329 = vector.shape_cast %get3A_328 : vector<1x16xf32> to vector<16xf32>
          %mul3A_330 = vector.broadcast %squeeze3A_323 : f32 to vector<16xf32>
          %mul3A_331 = arith.mulf %get3A_329, %mul3A_330 : vector<16xf32>
          %swap3A_332 = arith.index_cast %add3A_325 : i32 to index
          %swap3A_333 = arith.constant 0 : index
          %swap3A_334 = tpu.vector_load %arg7[%swap3A_332, %swap3A_333] {strides = array<i32>} : memref<256x32xf32, #tpu.memory_space<vmem>>, vector<1x16xf32>,
          %swap3A_335 = vector.shape_cast %swap3A_334 : vector<1x16xf32> to vector<16xf32>
          %swap3A_336 = vector.shape_cast %mul3A_331 : vector<16xf32> to vector<1x16xf32>
          tpu.vector_store %arg7[%swap3A_332, %swap3A_333], %swap3A_336 {strides = array<i32>} : memref<256x32xf32, #tpu.memory_space<vmem>>, vector<1x16xf32>,
          %get3A_337 = arith.index_cast %add3A_325 : i32 to index
          %get3A_338 = arith.constant 16 : index
          %get3A_339 = tpu.vector_load %arg7[%get3A_337, %get3A_338] {strides = array<i32>} : memref<256x32xf32, #tpu.memory_space<vmem>>, vector<1x16xf32>,
          %get3A_340 = vector.shape_cast %get3A_339 : vector<1x16xf32> to vector<16xf32>
          %mul3A_341 = vector.broadcast %squeeze3A_323 : f32 to vector<16xf32>
          %mul3A_342 = arith.mulf %get3A_340, %mul3A_341 : vector<16xf32>
          %swap3A_343 = arith.index_cast %add3A_325 : i32 to index
          %swap3A_344 = arith.constant 16 : index
          %swap3A_345 = tpu.vector_load %arg7[%swap3A_343, %swap3A_344] {strides = array<i32>} : memref<256x32xf32, #tpu.memory_space<vmem>>, vector<1x16xf32>,
          %swap3A_346 = vector.shape_cast %swap3A_345 : vector<1x16xf32> to vector<16xf32>
          %swap3A_347 = vector.shape_cast %mul3A_342 : vector<16xf32> to vector<1x16xf32>
          tpu.vector_store %arg7[%swap3A_343, %swap3A_344], %swap3A_347 {strides = array<i32>} : memref<256x32xf32, #tpu.memory_space<vmem>>, vector<1x16xf32>,
          %slice3A_348 = vector.extract_strided_slice %gather3A_140 {offsets = [8], sizes = [1], strides = [1]} : vector<16xf32> to vector<1xf32>
          %squeeze3A_349 = vector.extract %slice3A_348[0] : f32 from vector<1xf32>
          %add3A_350 = arith.constant 8 : i32
          %add3A_351 = arith.addi %mul3A_130, %add3A_350 : i32
          %get3A_352 = arith.index_cast %add3A_351 : i32 to index
          %get3A_353 = arith.constant 0 : index
          %get3A_354 = tpu.vector_load %arg7[%get3A_352, %get3A_353] {strides = array<i32>} : memref<256x32xf32, #tpu.memory_space<vmem>>, vector<1x16xf32>,
          %get3A_355 = vector.shape_cast %get3A_354 : vector<1x16xf32> to vector<16xf32>
          %mul3A_356 = vector.broadcast %squeeze3A_349 : f32 to vector<16xf32>
          %mul3A_357 = arith.mulf %get3A_355, %mul3A_356 : vector<16xf32>
          %swap3A_358 = arith.index_cast %add3A_351 : i32 to index
          %swap3A_359 = arith.constant 0 : index
          %swap3A_360 = tpu.vector_load %arg7[%swap3A_358, %swap3A_359] {strides = array<i32>} : memref<256x32xf32, #tpu.memory_space<vmem>>, vector<1x16xf32>,
          %swap3A_361 = vector.shape_cast %swap3A_360 : vector<1x16xf32> to vector<16xf32>
          %swap3A_362 = vector.shape_cast %mul3A_357 : vector<16xf32> to vector<1x16xf32>
          tpu.vector_store %arg7[%swap3A_358, %swap3A_359], %swap3A_362 {strides = array<i32>} : memref<256x32xf32, #tpu.memory_space<vmem>>, vector<1x16xf32>,
          %get3A_363 = arith.index_cast %add3A_351 : i32 to index
          %get3A_364 = arith.constant 16 : index
          %get3A_365 = tpu.vector_load %arg7[%get3A_363, %get3A_364] {strides = array<i32>} : memref<256x32xf32, #tpu.memory_space<vmem>>, vector<1x16xf32>,
          %get3A_366 = vector.shape_cast %get3A_365 : vector<1x16xf32> to vector<16xf32>
          %mul3A_367 = vector.broadcast %squeeze3A_349 : f32 to vector<16xf32>
          %mul3A_368 = arith.mulf %get3A_366, %mul3A_367 : vector<16xf32>
          %swap3A_369 = arith.index_cast %add3A_351 : i32 to index
          %swap3A_370 = arith.constant 16 : index
          %swap3A_371 = tpu.vector_load %arg7[%swap3A_369, %swap3A_370] {strides = array<i32>} : memref<256x32xf32, #tpu.memory_space<vmem>>, vector<1x16xf32>,
          %swap3A_372 = vector.shape_cast %swap3A_371 : vector<1x16xf32> to vector<16xf32>
          %swap3A_373 = vector.shape_cast %mul3A_368 : vector<16xf32> to vector<1x16xf32>
          tpu.vector_store %arg7[%swap3A_369, %swap3A_370], %swap3A_373 {strides = array<i32>} : memref<256x32xf32, #tpu.memory_space<vmem>>, vector<1x16xf32>,
          %slice3A_374 = vector.extract_strided_slice %gather3A_140 {offsets = [9], sizes = [1], strides = [1]} : vector<16xf32> to vector<1xf32>
          %squeeze3A_375 = vector.extract %slice3A_374[0] : f32 from vector<1xf32>
          %add3A_376 = arith.constant 9 : i32
          %add3A_377 = arith.addi %mul3A_130, %add3A_376 : i32
          %get3A_378 = arith.index_cast %add3A_377 : i32 to index
          %get3A_379 = arith.constant 0 : index
          %get3A_380 = tpu.vector_load %arg7[%get3A_378, %get3A_379] {strides = array<i32>} : memref<256x32xf32, #tpu.memory_space<vmem>>, vector<1x16xf32>,
          %get3A_381 = vector.shape_cast %get3A_380 : vector<1x16xf32> to vector<16xf32>
          %mul3A_382 = vector.broadcast %squeeze3A_375 : f32 to vector<16xf32>
          %mul3A_383 = arith.mulf %get3A_381, %mul3A_382 : vector<16xf32>
          %swap3A_384 = arith.index_cast %add3A_377 : i32 to index
          %swap3A_385 = arith.constant 0 : index
          %swap3A_386 = tpu.vector_load %arg7[%swap3A_384, %swap3A_385] {strides = array<i32>} : memref<256x32xf32, #tpu.memory_space<vmem>>, vector<1x16xf32>,
          %swap3A_387 = vector.shape_cast %swap3A_386 : vector<1x16xf32> to vector<16xf32>
          %swap3A_388 = vector.shape_cast %mul3A_383 : vector<16xf32> to vector<1x16xf32>
          tpu.vector_store %arg7[%swap3A_384, %swap3A_385], %swap3A_388 {strides = array<i32>} : memref<256x32xf32, #tpu.memory_space<vmem>>, vector<1x16xf32>,
          %get3A_389 = arith.index_cast %add3A_377 : i32 to index
          %get3A_390 = arith.constant 16 : index
          %get3A_391 = tpu.vector_load %arg7[%get3A_389, %get3A_390] {strides = array<i32>} : memref<256x32xf32, #tpu.memory_space<vmem>>, vector<1x16xf32>,
          %get3A_392 = vector.shape_cast %get3A_391 : vector<1x16xf32> to vector<16xf32>
          %mul3A_393 = vector.broadcast %squeeze3A_375 : f32 to vector<16xf32>
          %mul3A_394 = arith.mulf %get3A_392, %mul3A_393 : vector<16xf32>
          %swap3A_395 = arith.index_cast %add3A_377 : i32 to index
          %swap3A_396 = arith.constant 16 : index
          %swap3A_397 = tpu.vector_load %arg7[%swap3A_395, %swap3A_396] {strides = array<i32>} : memref<256x32xf32, #tpu.memory_space<vmem>>, vector<1x16xf32>,
          %swap3A_398 = vector.shape_cast %swap3A_397 : vector<1x16xf32> to vector<16xf32>
          %swap3A_399 = vector.shape_cast %mul3A_394 : vector<16xf32> to vector<1x16xf32>
          tpu.vector_store %arg7[%swap3A_395, %swap3A_396], %swap3A_399 {strides = array<i32>} : memref<256x32xf32, #tpu.memory_space<vmem>>, vector<1x16xf32>,
          %slice3A_400 = vector.extract_strided_slice %gather3A_140 {offsets = [10], sizes = [1], strides = [1]} : vector<16xf32> to vector<1xf32>
          %squeeze3A_401 = vector.extract %slice3A_400[0] : f32 from vector<1xf32>
          %add3A_402 = arith.constant 10 : i32
          %add3A_403 = arith.addi %mul3A_130, %add3A_402 : i32
          %get3A_404 = arith.index_cast %add3A_403 : i32 to index
          %get3A_405 = arith.constant 0 : index
          %get3A_406 = tpu.vector_load %arg7[%get3A_404, %get3A_405] {strides = array<i32>} : memref<256x32xf32, #tpu.memory_space<vmem>>, vector<1x16xf32>,
          %get3A_407 = vector.shape_cast %get3A_406 : vector<1x16xf32> to vector<16xf32>
          %mul3A_408 = vector.broadcast %squeeze3A_401 : f32 to vector<16xf32>
          %mul3A_409 = arith.mulf %get3A_407, %mul3A_408 : vector<16xf32>
          %swap3A_410 = arith.index_cast %add3A_403 : i32 to index
          %swap3A_411 = arith.constant 0 : index
          %swap3A_412 = tpu.vector_load %arg7[%swap3A_410, %swap3A_411] {strides = array<i32>} : memref<256x32xf32, #tpu.memory_space<vmem>>, vector<1x16xf32>,
          %swap3A_413 = vector.shape_cast %swap3A_412 : vector<1x16xf32> to vector<16xf32>
          %swap3A_414 = vector.shape_cast %mul3A_409 : vector<16xf32> to vector<1x16xf32>
          tpu.vector_store %arg7[%swap3A_410, %swap3A_411], %swap3A_414 {strides = array<i32>} : memref<256x32xf32, #tpu.memory_space<vmem>>, vector<1x16xf32>,
          %get3A_415 = arith.index_cast %add3A_403 : i32 to index
          %get3A_416 = arith.constant 16 : index
          %get3A_417 = tpu.vector_load %arg7[%get3A_415, %get3A_416] {strides = array<i32>} : memref<256x32xf32, #tpu.memory_space<vmem>>, vector<1x16xf32>,
          %get3A_418 = vector.shape_cast %get3A_417 : vector<1x16xf32> to vector<16xf32>
          %mul3A_419 = vector.broadcast %squeeze3A_401 : f32 to vector<16xf32>
          %mul3A_420 = arith.mulf %get3A_418, %mul3A_419 : vector<16xf32>
          %swap3A_421 = arith.index_cast %add3A_403 : i32 to index
          %swap3A_422 = arith.constant 16 : index
          %swap3A_423 = tpu.vector_load %arg7[%swap3A_421, %swap3A_422] {strides = array<i32>} : memref<256x32xf32, #tpu.memory_space<vmem>>, vector<1x16xf32>,
          %swap3A_424 = vector.shape_cast %swap3A_423 : vector<1x16xf32> to vector<16xf32>
          %swap3A_425 = vector.shape_cast %mul3A_420 : vector<16xf32> to vector<1x16xf32>
          tpu.vector_store %arg7[%swap3A_421, %swap3A_422], %swap3A_425 {strides = array<i32>} : memref<256x32xf32, #tpu.memory_space<vmem>>, vector<1x16xf32>,
          %slice3A_426 = vector.extract_strided_slice %gather3A_140 {offsets = [11], sizes = [1], strides = [1]} : vector<16xf32> to vector<1xf32>
          %squeeze3A_427 = vector.extract %slice3A_426[0] : f32 from vector<1xf32>
          %add3A_428 = arith.constant 11 : i32
          %add3A_429 = arith.addi %mul3A_130, %add3A_428 : i32
          %get3A_430 = arith.index_cast %add3A_429 : i32 to index
          %get3A_431 = arith.constant 0 : index
          %get3A_432 = tpu.vector_load %arg7[%get3A_430, %get3A_431] {strides = array<i32>} : memref<256x32xf32, #tpu.memory_space<vmem>>, vector<1x16xf32>,
          %get3A_433 = vector.shape_cast %get3A_432 : vector<1x16xf32> to vector<16xf32>
          %mul3A_434 = vector.broadcast %squeeze3A_427 : f32 to vector<16xf32>
          %mul3A_435 = arith.mulf %get3A_433, %mul3A_434 : vector<16xf32>
          %swap3A_436 = arith.index_cast %add3A_429 : i32 to index
          %swap3A_437 = arith.constant 0 : index
          %swap3A_438 = tpu.vector_load %arg7[%swap3A_436, %swap3A_437] {strides = array<i32>} : memref<256x32xf32, #tpu.memory_space<vmem>>, vector<1x16xf32>,
          %swap3A_439 = vector.shape_cast %swap3A_438 : vector<1x16xf32> to vector<16xf32>
          %swap3A_440 = vector.shape_cast %mul3A_435 : vector<16xf32> to vector<1x16xf32>
          tpu.vector_store %arg7[%swap3A_436, %swap3A_437], %swap3A_440 {strides = array<i32>} : memref<256x32xf32, #tpu.memory_space<vmem>>, vector<1x16xf32>,
          %get3A_441 = arith.index_cast %add3A_429 : i32 to index
          %get3A_442 = arith.constant 16 : index
          %get3A_443 = tpu.vector_load %arg7[%get3A_441, %get3A_442] {strides = array<i32>} : memref<256x32xf32, #tpu.memory_space<vmem>>, vector<1x16xf32>,
          %get3A_444 = vector.shape_cast %get3A_443 : vector<1x16xf32> to vector<16xf32>
          %mul3A_445 = vector.broadcast %squeeze3A_427 : f32 to vector<16xf32>
          %mul3A_446 = arith.mulf %get3A_444, %mul3A_445 : vector<16xf32>
          %swap3A_447 = arith.index_cast %add3A_429 : i32 to index
          %swap3A_448 = arith.constant 16 : index
          %swap3A_449 = tpu.vector_load %arg7[%swap3A_447, %swap3A_448] {strides = array<i32>} : memref<256x32xf32, #tpu.memory_space<vmem>>, vector<1x16xf32>,
          %swap3A_450 = vector.shape_cast %swap3A_449 : vector<1x16xf32> to vector<16xf32>
          %swap3A_451 = vector.shape_cast %mul3A_446 : vector<16xf32> to vector<1x16xf32>
          tpu.vector_store %arg7[%swap3A_447, %swap3A_448], %swap3A_451 {strides = array<i32>} : memref<256x32xf32, #tpu.memory_space<vmem>>, vector<1x16xf32>,
          %slice3A_452 = vector.extract_strided_slice %gather3A_140 {offsets = [12], sizes = [1], strides = [1]} : vector<16xf32> to vector<1xf32>
          %squeeze3A_453 = vector.extract %slice3A_452[0] : f32 from vector<1xf32>
          %add3A_454 = arith.constant 12 : i32
          %add3A_455 = arith.addi %mul3A_130, %add3A_454 : i32
          %get3A_456 = arith.index_cast %add3A_455 : i32 to index
          %get3A_457 = arith.constant 0 : index
          %get3A_458 = tpu.vector_load %arg7[%get3A_456, %get3A_457] {strides = array<i32>} : memref<256x32xf32, #tpu.memory_space<vmem>>, vector<1x16xf32>,
          %get3A_459 = vector.shape_cast %get3A_458 : vector<1x16xf32> to vector<16xf32>
          %mul3A_460 = vector.broadcast %squeeze3A_453 : f32 to vector<16xf32>
          %mul3A_461 = arith.mulf %get3A_459, %mul3A_460 : vector<16xf32>
          %swap3A_462 = arith.index_cast %add3A_455 : i32 to index
          %swap3A_463 = arith.constant 0 : index
          %swap3A_464 = tpu.vector_load %arg7[%swap3A_462, %swap3A_463] {strides = array<i32>} : memref<256x32xf32, #tpu.memory_space<vmem>>, vector<1x16xf32>,
          %swap3A_465 = vector.shape_cast %swap3A_464 : vector<1x16xf32> to vector<16xf32>
          %swap3A_466 = vector.shape_cast %mul3A_461 : vector<16xf32> to vector<1x16xf32>
          tpu.vector_store %arg7[%swap3A_462, %swap3A_463], %swap3A_466 {strides = array<i32>} : memref<256x32xf32, #tpu.memory_space<vmem>>, vector<1x16xf32>,
          %get3A_467 = arith.index_cast %add3A_455 : i32 to index
          %get3A_468 = arith.constant 16 : index
          %get3A_469 = tpu.vector_load %arg7[%get3A_467, %get3A_468] {strides = array<i32>} : memref<256x32xf32, #tpu.memory_space<vmem>>, vector<1x16xf32>,
          %get3A_470 = vector.shape_cast %get3A_469 : vector<1x16xf32> to vector<16xf32>
          %mul3A_471 = vector.broadcast %squeeze3A_453 : f32 to vector<16xf32>
          %mul3A_472 = arith.mulf %get3A_470, %mul3A_471 : vector<16xf32>
          %swap3A_473 = arith.index_cast %add3A_455 : i32 to index
          %swap3A_474 = arith.constant 16 : index
          %swap3A_475 = tpu.vector_load %arg7[%swap3A_473, %swap3A_474] {strides = array<i32>} : memref<256x32xf32, #tpu.memory_space<vmem>>, vector<1x16xf32>,
          %swap3A_476 = vector.shape_cast %swap3A_475 : vector<1x16xf32> to vector<16xf32>
          %swap3A_477 = vector.shape_cast %mul3A_472 : vector<16xf32> to vector<1x16xf32>
          tpu.vector_store %arg7[%swap3A_473, %swap3A_474], %swap3A_477 {strides = array<i32>} : memref<256x32xf32, #tpu.memory_space<vmem>>, vector<1x16xf32>,
          %slice3A_478 = vector.extract_strided_slice %gather3A_140 {offsets = [13], sizes = [1], strides = [1]} : vector<16xf32> to vector<1xf32>
          %squeeze3A_479 = vector.extract %slice3A_478[0] : f32 from vector<1xf32>
          %add3A_480 = arith.constant 13 : i32
          %add3A_481 = arith.addi %mul3A_130, %add3A_480 : i32
          %get3A_482 = arith.index_cast %add3A_481 : i32 to index
          %get3A_483 = arith.constant 0 : index
          %get3A_484 = tpu.vector_load %arg7[%get3A_482, %get3A_483] {strides = array<i32>} : memref<256x32xf32, #tpu.memory_space<vmem>>, vector<1x16xf32>,
          %get3A_485 = vector.shape_cast %get3A_484 : vector<1x16xf32> to vector<16xf32>
          %mul3A_486 = vector.broadcast %squeeze3A_479 : f32 to vector<16xf32>
          %mul3A_487 = arith.mulf %get3A_485, %mul3A_486 : vector<16xf32>
          %swap3A_488 = arith.index_cast %add3A_481 : i32 to index
          %swap3A_489 = arith.constant 0 : index
          %swap3A_490 = tpu.vector_load %arg7[%swap3A_488, %swap3A_489] {strides = array<i32>} : memref<256x32xf32, #tpu.memory_space<vmem>>, vector<1x16xf32>,
          %swap3A_491 = vector.shape_cast %swap3A_490 : vector<1x16xf32> to vector<16xf32>
          %swap3A_492 = vector.shape_cast %mul3A_487 : vector<16xf32> to vector<1x16xf32>
          tpu.vector_store %arg7[%swap3A_488, %swap3A_489], %swap3A_492 {strides = array<i32>} : memref<256x32xf32, #tpu.memory_space<vmem>>, vector<1x16xf32>,
          %get3A_493 = arith.index_cast %add3A_481 : i32 to index
          %get3A_494 = arith.constant 16 : index
          %get3A_495 = tpu.vector_load %arg7[%get3A_493, %get3A_494] {strides = array<i32>} : memref<256x32xf32, #tpu.memory_space<vmem>>, vector<1x16xf32>,
          %get3A_496 = vector.shape_cast %get3A_495 : vector<1x16xf32> to vector<16xf32>
          %mul3A_497 = vector.broadcast %squeeze3A_479 : f32 to vector<16xf32>
          %mul3A_498 = arith.mulf %get3A_496, %mul3A_497 : vector<16xf32>
          %swap3A_499 = arith.index_cast %add3A_481 : i32 to index
          %swap3A_500 = arith.constant 16 : index
          %swap3A_501 = tpu.vector_load %arg7[%swap3A_499, %swap3A_500] {strides = array<i32>} : memref<256x32xf32, #tpu.memory_space<vmem>>, vector<1x16xf32>,
          %swap3A_502 = vector.shape_cast %swap3A_501 : vector<1x16xf32> to vector<16xf32>
          %swap3A_503 = vector.shape_cast %mul3A_498 : vector<16xf32> to vector<1x16xf32>
          tpu.vector_store %arg7[%swap3A_499, %swap3A_500], %swap3A_503 {strides = array<i32>} : memref<256x32xf32, #tpu.memory_space<vmem>>, vector<1x16xf32>,
          %slice3A_504 = vector.extract_strided_slice %gather3A_140 {offsets = [14], sizes = [1], strides = [1]} : vector<16xf32> to vector<1xf32>
          %squeeze3A_505 = vector.extract %slice3A_504[0] : f32 from vector<1xf32>
          %add3A_506 = arith.constant 14 : i32
          %add3A_507 = arith.addi %mul3A_130, %add3A_506 : i32
          %get3A_508 = arith.index_cast %add3A_507 : i32 to index
          %get3A_509 = arith.constant 0 : index
          %get3A_510 = tpu.vector_load %arg7[%get3A_508, %get3A_509] {strides = array<i32>} : memref<256x32xf32, #tpu.memory_space<vmem>>, vector<1x16xf32>,
          %get3A_511 = vector.shape_cast %get3A_510 : vector<1x16xf32> to vector<16xf32>
          %mul3A_512 = vector.broadcast %squeeze3A_505 : f32 to vector<16xf32>
          %mul3A_513 = arith.mulf %get3A_511, %mul3A_512 : vector<16xf32>
          %swap3A_514 = arith.index_cast %add3A_507 : i32 to index
          %swap3A_515 = arith.constant 0 : index
          %swap3A_516 = tpu.vector_load %arg7[%swap3A_514, %swap3A_515] {strides = array<i32>} : memref<256x32xf32, #tpu.memory_space<vmem>>, vector<1x16xf32>,
          %swap3A_517 = vector.shape_cast %swap3A_516 : vector<1x16xf32> to vector<16xf32>
          %swap3A_518 = vector.shape_cast %mul3A_513 : vector<16xf32> to vector<1x16xf32>
          tpu.vector_store %arg7[%swap3A_514, %swap3A_515], %swap3A_518 {strides = array<i32>} : memref<256x32xf32, #tpu.memory_space<vmem>>, vector<1x16xf32>,
          %get3A_519 = arith.index_cast %add3A_507 : i32 to index
          %get3A_520 = arith.constant 16 : index
          %get3A_521 = tpu.vector_load %arg7[%get3A_519, %get3A_520] {strides = array<i32>} : memref<256x32xf32, #tpu.memory_space<vmem>>, vector<1x16xf32>,
          %get3A_522 = vector.shape_cast %get3A_521 : vector<1x16xf32> to vector<16xf32>
          %mul3A_523 = vector.broadcast %squeeze3A_505 : f32 to vector<16xf32>
          %mul3A_524 = arith.mulf %get3A_522, %mul3A_523 : vector<16xf32>
          %swap3A_525 = arith.index_cast %add3A_507 : i32 to index
          %swap3A_526 = arith.constant 16 : index
          %swap3A_527 = tpu.vector_load %arg7[%swap3A_525, %swap3A_526] {strides = array<i32>} : memref<256x32xf32, #tpu.memory_space<vmem>>, vector<1x16xf32>,
          %swap3A_528 = vector.shape_cast %swap3A_527 : vector<1x16xf32> to vector<16xf32>
          %swap3A_529 = vector.shape_cast %mul3A_524 : vector<16xf32> to vector<1x16xf32>
          tpu.vector_store %arg7[%swap3A_525, %swap3A_526], %swap3A_529 {strides = array<i32>} : memref<256x32xf32, #tpu.memory_space<vmem>>, vector<1x16xf32>,
          %slice3A_530 = vector.extract_strided_slice %gather3A_140 {offsets = [15], sizes = [1], strides = [1]} : vector<16xf32> to vector<1xf32>
          %squeeze3A_531 = vector.extract %slice3A_530[0] : f32 from vector<1xf32>
          %add3A_532 = arith.constant 15 : i32
          %add3A_533 = arith.addi %mul3A_130, %add3A_532 : i32
          %get3A_534 = arith.index_cast %add3A_533 : i32 to index
          %get3A_535 = arith.constant 0 : index
          %get3A_536 = tpu.vector_load %arg7[%get3A_534, %get3A_535] {strides = array<i32>} : memref<256x32xf32, #tpu.memory_space<vmem>>, vector<1x16xf32>,
          %get3A_537 = vector.shape_cast %get3A_536 : vector<1x16xf32> to vector<16xf32>
          %mul3A_538 = vector.broadcast %squeeze3A_531 : f32 to vector<16xf32>
          %mul3A_539 = arith.mulf %get3A_537, %mul3A_538 : vector<16xf32>
          %swap3A_540 = arith.index_cast %add3A_533 : i32 to index
          %swap3A_541 = arith.constant 0 : index
          %swap3A_542 = tpu.vector_load %arg7[%swap3A_540, %swap3A_541] {strides = array<i32>} : memref<256x32xf32, #tpu.memory_space<vmem>>, vector<1x16xf32>,
          %swap3A_543 = vector.shape_cast %swap3A_542 : vector<1x16xf32> to vector<16xf32>
          %swap3A_544 = vector.shape_cast %mul3A_539 : vector<16xf32> to vector<1x16xf32>
          tpu.vector_store %arg7[%swap3A_540, %swap3A_541], %swap3A_544 {strides = array<i32>} : memref<256x32xf32, #tpu.memory_space<vmem>>, vector<1x16xf32>,
          %get3A_545 = arith.index_cast %add3A_533 : i32 to index
          %get3A_546 = arith.constant 16 : index
          %get3A_547 = tpu.vector_load %arg7[%get3A_545, %get3A_546] {strides = array<i32>} : memref<256x32xf32, #tpu.memory_space<vmem>>, vector<1x16xf32>,
          %get3A_548 = vector.shape_cast %get3A_547 : vector<1x16xf32> to vector<16xf32>
          %mul3A_549 = vector.broadcast %squeeze3A_531 : f32 to vector<16xf32>
          %mul3A_550 = arith.mulf %get3A_548, %mul3A_549 : vector<16xf32>
          %swap3A_551 = arith.index_cast %add3A_533 : i32 to index
          %swap3A_552 = arith.constant 16 : index
          %swap3A_553 = tpu.vector_load %arg7[%swap3A_551, %swap3A_552] {strides = array<i32>} : memref<256x32xf32, #tpu.memory_space<vmem>>, vector<1x16xf32>,
          %swap3A_554 = vector.shape_cast %swap3A_553 : vector<1x16xf32> to vector<16xf32>
          %swap3A_555 = vector.shape_cast %mul3A_550 : vector<16xf32> to vector<1x16xf32>
          tpu.vector_store %arg7[%swap3A_551, %swap3A_552], %swap3A_555 {strides = array<i32>} : memref<256x32xf32, #tpu.memory_space<vmem>>, vector<1x16xf32>,
          %scan3A_556 = arith.constant 0 : i32
          scf.yield %scan3A_556 : i32
        }
        %scan3A_125 = arith.constant 16 : i32
        %cond3A_126 = arith.constant 0 : i32
        scf.yield %cond3A_126 : i32
      }
      %mul3A_111 = arith.constant 256 : i32
      %mul3A_112 = arith.muli %add3A_77, %mul3A_111 : i32
      %add3A_113 = arith.addi %mul3A_2, %mul3A_112 : i32
      %dma_start3A_114 = arith.constant 0 : i32
      %dma_start3A_115 = tpu.memref_slice %arg5[%add3A_113, %dma_start3A_114] : memref<1048576x32xf32, #tpu.memory_space<hbm>> -> memref<256x32xf32, #tpu.memory_space<hbm>>
      %dma_start3A_116 = arith.constant 0 : i32
      %dma_start3A_117 = tpu.memref_slice %arg5[%add3A_113, %dma_start3A_116] : memref<1048576x32xf32, #tpu.memory_space<hbm>> -> memref<256x32xf32, #tpu.memory_space<hbm>>
      tpu.enqueue_dma source(%arg7 : memref<256x32xf32, #tpu.memory_space<vmem>>) target(%dma_start3A_117 : memref<256x32xf32, #tpu.memory_space<hbm>>) target_semaphore(%arg16 : memref<!tpu.dma_semaphore, #tpu.memory_space<semaphore_mem>>)
      %scan3A_118 = arith.constant 0 : i32
      scf.yield %scan3A_118 : i32
    }
    %scan3A_23 = arith.constant 64 : i32
    %dma_wait3A = arith.constant 0 : i32
    %dma_wait3A_24 = arith.constant 0 : i32
    %dma_wait3A_25 = tpu.memref_slice %arg5[%dma_wait3A, %dma_wait3A_24] : memref<1048576x32xf32, #tpu.memory_space<hbm>> -> memref<256x32xf32, #tpu.memory_space<hbm>>
    %dma_wait3A_26 = arith.constant 0 : i32
    %dma_wait3A_27 = arith.constant 0 : i32
    %dma_wait3A_28 = tpu.memref_slice %arg5[%dma_wait3A_26, %dma_wait3A_27] : memref<1048576x32xf32, #tpu.memory_space<hbm>> -> memref<256x32xf32, #tpu.memory_space<hbm>>
    tpu.wait_dma2 semaphore(%arg15 : memref<!tpu.dma_semaphore, #tpu.memory_space<semaphore_mem>>) src(%arg6 : memref<256x32xf32, #tpu.memory_space<vmem>>) dst(%dma_wait3A_28 : memref<256x32xf32, #tpu.memory_space<hbm>>)
    %dma_wait3A_29 = arith.constant 0 : i32
    %dma_wait3A_30 = arith.constant 0 : i32
    %dma_wait3A_31 = tpu.memref_slice %arg5[%dma_wait3A_29, %dma_wait3A_30] : memref<1048576x32xf32, #tpu.memory_space<hbm>> -> memref<256x32xf32, #tpu.memory_space<hbm>>
    %dma_wait3A_32 = arith.constant 0 : i32
    %dma_wait3A_33 = arith.constant 0 : i32
    %dma_wait3A_34 = tpu.memref_slice %arg5[%dma_wait3A_32, %dma_wait3A_33] : memref<1048576x32xf32, #tpu.memory_space<hbm>> -> memref<256x32xf32, #tpu.memory_space<hbm>>
    tpu.wait_dma2 semaphore(%arg16 : memref<!tpu.dma_semaphore, #tpu.memory_space<semaphore_mem>>) src(%arg7 : memref<256x32xf32, #tpu.memory_space<vmem>>) dst(%dma_wait3A_34 : memref<256x32xf32, #tpu.memory_space<hbm>>)
    return
  }
}

</mosaic_0001>

<sc_bundles>
// kernel: kernel.3.cloned.1.call-start
scs
__scs_entry_jumppad:
0x0: {  	(pc) =	sbr.rel $0x88, $3  }
0x1: {  	(tag) =	ssettag $0x0;
	lr =	simm.s32 $0x1  }
0x2: {  	[smem:$0x3F9E] =	sst lr;
	_ =	strace $0xD0000000  }
0x3: {  	_ = 	snop  }
0x4: {  	_ = 	snop  }
0x5: {  	_ = 	snop  }
0x6: {  	_ = 	snop  }
0x7: {  	_ = 	snop  }
__scs_overlays_trampoline_lowered:
0x8: {  	[smem:$0x3FAD] =	sst s0  }
0x9: {  	[smem:$0x3FAE] =	sst s1  }
0xa: {  	[smem:$0x3FAF] =	sst s2  }
0xb: {  	[smem:$0x3FB0] =	sst s3  }
0xc: {  	[smem:$0x3FB1] =	sst s4  }
0xd: {  	[smem:$0x3FB2] =	sst s5  }
0xe: {  	[smem:$0x3FB3] =	sst s6  }
0xf: {  	[smem:$0x3FB4] =	sst s7  }
0x10: {  	[smem:$0x3FB5] =	sst s8  }
0x11: {  	[smem:$0x3FB6] =	sst s9;
	s0 =	simm.s32 @!p0 $0x0  }
0x12: {  	s1 =	sld [smem:$0x3F9C];
	s0 =	simm.s32 @p0 $0x1  }
0x13: {  	[smem:$0x3FB7] =	sst s0;
	s0 =	simm.s32 @!p1 $0x0  }
0x14: {  	s2 =	sld [smem:$0x3F9B];
	s0 =	simm.s32 @p1 $0x1  }
0x15: {  	[smem:$0x3FB8] =	sst s0;
	s0 =	simm.s32 @!p2 $0x0  }
0x16: {  	s3 =	sld [smem:$0x3FDB];
	s0 =	simm.s32 @p2 $0x1  }
0x17: {  	s4 =	simm.s32 $0x1BF5;
	[smem:$0x3FBA] =	sst s0  }
0x18: {  	s0 =	sld [smem:$0x3F9D];
	_ =	swait.ge [sflag:s4], $0x0  }
0x19: {  	s7 =	sld [smem:$0x3F9E]  }
0x1a: {  	s8 =	sadd.s32 $0xFFFFE003, lr  }
0x1b: {  	s9 =	sadd.s32 $0xFFFFFEF7, lr;
	s5 =	simm.s32 $0xFFFFFFFF;
	p2 =	slt.u32 s8, $0xFFFFF086  }
0x1c: {  	p1 =	slt.u32 s9, $0xF7A;
	s5 =	simm.s32 @!p2 $0x0  }
0x1d: {  	s5 =	simm.s32 @p1 $0x1;
	p0 =	seq.s32 s7, s2  }
0x1e: {  	s7 =	smul.u32 @!p0 $0xF7A, s2;
	p2 =	seq.s32 @!p0 s5, $0x0  }
0x1f: {  	s9 =	smul.u32 $0xF7A, s1;
	s8 =	simm.s32 @!p0 $0x1BF5;
	p2 =	por !p2, p0  }
0x20: {  	[sflag:s8] =	ssyncset.s32 @!p0 $0xFFFFF086;
	s6 =	sadd.s32 @!p0 s3, s7;
	s7 =	simm.s32 @!p0 $0x108  }
0x21: {  	s3 =	sadd.s32 s3, s9;
	s6 =	sadd.s32 @!p0 $0x88, s6;
	s7 =	simm.s32 @p2 $0x1082  }
0x22: {  	[simem:s7], [sflag:s8] =	dma.local @!p0 [hbm:s6], $0xF7A  }
0x23: {  	s9 =	sor.u32 $0xD0000000, s2;
	s6 =	simm.s32 $0x108;
	_ =	swait.ge @!p0 [sflag:s8], $0x0  }
0x24: {  	s3 =	sadd.s32 $0x88, s3;
	s6 =	simm.s32 @!p1 $0x1082;
	[sflag:s4] =	ssyncset.s32 $0xFFFFF086  }
0x25: {  	[simem:s6], [sflag:s4] =	dma.local [hbm:s3], $0xF7A  }
0x26: {  	[smem:$0x3F9E] =	sst s1;
	(tag) =	ssettag s2;
	_ =	strace s9  }
0x27: {  	s1 =	sld [smem:$0x3FAE]  }
0x28: {  	s2 =	sld [smem:$0x3FAF]  }
0x29: {  	s4 =	sld [smem:$0x3FB1]  }
0x2a: {  	p0 =	seq.s32 s5, $0x0;
	s5 =	sld [smem:$0x3FB2]  }
0x2b: {  	s6 =	sld [smem:$0x3FB3]  }
0x2c: {  	s7 =	sld [smem:$0x3FB4]  }
0x2d: {  	s3 =	simm.s32 $0x108;
	s8 =	sld [smem:$0x3FB5]  }
0x2e: {  	s3 =	simm.s32 @!p0 $0x1082;
	s9 =	sld [smem:$0x3FB6]  }
0x2f: {  	lr =	sadd.s32 s0, s3;
	s0 =	sld [smem:$0x3FAD]  }
0x30: {  	s3 =	sld [smem:$0x3FB0]  }
0x31: {  	[smem:$0x3FB9] =	sst s10  }
0x32: {  	s10 =	sld [smem:$0x3FB7];
	_ =	sdelay $0x3  }
0x33: {  	p0 =	seq.s32 s10, $0x1;
	s10 =	sld [smem:$0x3FB9];
	_ =	sdelay $0x3  }
0x34: {  	[smem:$0x3FB9] =	sst s10  }
0x35: {  	s10 =	sld [smem:$0x3FB8];
	_ =	sdelay $0x3  }
0x36: {  	p1 =	seq.s32 s10, $0x1;
	s10 =	sld [smem:$0x3FB9];
	_ =	sdelay $0x3  }
0x37: {  	[smem:$0x3FB9] =	sst s10  }
0x38: {  	s10 =	sld [smem:$0x3FBA]  }
0x39: {  	_ = 	snop;
	(pc) =	sbr.ind lr, $3  }
0x3a: {  	_ = 	snop  }
0x3b: {  	_ = 	snop  }
0x3c: {  	p2 =	seq.s32 s10, $0x1;
	s10 =	sld [smem:$0x3FB9]  }
0x3d: {  	_ =	shalt  }
0x3e: {  	_ =	shalt  }
0x3f: {  	_ =	shalt  }
0x40: {  	_ =	shalt  }
0x41: {  	_ =	shalt  }
0x42: {  	_ =	shalt  }
0x43: {  	_ =	shalt  }
0x44: {  	_ =	shalt  }
0x45: {  	_ =	shalt  }
0x46: {  	_ =	shalt  }
0x47: {  	_ =	shalt  }
0x48: {  	_ =	shalt  }
0x49: {  	_ =	shalt  }
0x4a: {  	_ =	shalt  }
0x4b: {  	_ =	shalt  }
0x4c: {  	_ =	shalt  }
0x4d: {  	_ =	shalt  }
0x4e: {  	_ =	shalt  }
0x4f: {  	_ =	shalt  }
0x50: {  	_ =	shalt  }
0x51: {  	_ =	shalt  }
0x52: {  	_ =	shalt  }
0x53: {  	_ =	shalt  }
0x54: {  	_ =	shalt  }
0x55: {  	_ =	shalt  }
0x56: {  	_ =	shalt  }
0x57: {  	_ =	shalt  }
0x58: {  	_ =	shalt  }
0x59: {  	_ =	shalt  }
0x5a: {  	_ =	shalt  }
0x5b: {  	_ =	shalt  }
0x5c: {  	_ =	shalt  }
0x5d: {  	_ =	shalt  }
0x5e: {  	_ =	shalt  }
0x5f: {  	_ =	shalt  }
0x60: {  	_ =	shalt  }
0x61: {  	_ =	shalt  }
0x62: {  	_ =	shalt  }
0x63: {  	_ =	shalt  }
0x64: {  	_ =	shalt  }
0x65: {  	_ =	shalt  }
0x66: {  	_ =	shalt  }
0x67: {  	_ =	shalt  }
0x68: {  	_ =	shalt  }
0x69: {  	_ =	shalt  }
0x6a: {  	_ =	shalt  }
0x6b: {  	_ =	shalt  }
0x6c: {  	_ =	shalt  }
0x6d: {  	_ =	shalt  }
0x6e: {  	_ =	shalt  }
0x6f: {  	_ =	shalt  }
0x70: {  	_ =	shalt  }
0x71: {  	_ =	shalt  }
0x72: {  	_ =	shalt  }
0x73: {  	_ =	shalt  }
0x74: {  	_ =	shalt  }
0x75: {  	_ =	shalt  }
0x76: {  	_ =	shalt  }
0x77: {  	_ =	shalt  }
0x78: {  	_ =	shalt  }
0x79: {  	_ =	shalt  }
0x7a: {  	_ =	shalt  }
0x7b: {  	_ =	shalt  }
0x7c: {  	_ =	shalt  }
0x7d: {  	_ =	shalt  }
0x7e: {  	_ =	shalt  }
0x7f: {  	_ =	shalt  }
0x80: {  	_ =	shalt  }
0x81: {  	_ =	shalt  }
0x82: {  	_ =	shalt  }
0x83: {  	_ =	shalt  }
0x84: {  	_ =	shalt  }
0x85: {  	_ =	shalt  }
0x86: {  	_ =	shalt  }
0x87: {  	_ =	shalt  }
.Lfunc_end0:
.L_simem_size_0:
called_computation_lowered:
.L_overlay_start_0:
0x88: {  	s2 =	sld [smem:$0x3FD9]  }
0x89: {  	s3 =	sld [smem:$0x3FFE];
	_ =	sdelay $0x1  }
0x8a: {  	s1 =	srdreg.scid  }
0x8b: {  	s0 =	sand.u32 $0x1, s1  }
0x8c: {  	s17 =	sshll.u32 s0, $0xA;
	s2 =	sadd.s32 s3, s2  }
0x8d: {  	s2 =	sadd.s32 s2, s17  }
0x8e: {  	[smem:$0x3FC5] =	sst s2  }
0x8f: {  	_ = 	snop  }
0x90: {  	s2 =	sld [smem:$0x3FC8]  }
0x91: {  	s18 =	sld [smem:$0x3FC7];
	(tm) =	ssettm $0x1  }
0x92: {  	s4 =	sld [smem:$0x3FFB];
	_ =	sdelay $0x3  }
0x93: {  	_ =	strace s4  }
0x94: {  	s4 =	sld [smem:$0x3FFC];
	_ =	sdelay $0x3  }
0x95: {  	_ =	strace s4  }
0x96: {  	s4 =	sld [smem:$0x3FFD];
	_ =	sdelay $0x3  }
0x97: {  	_ =	strace s4  }
0x98: {  	_ =	strace $0x8FFFFFFF  }
0x99: {  	s19 =	sld [smem:$0x3FDB];
	_ =	sdelay $0x1  }
0x9a: {  	s5 =	simm.s32 $_scs_section_size  }
0x9b: {  	s6 =	simm.s32 $_size__tile_overlayer_lowered;
	s7 =	simm.s32 $_tile_overlayer_lowered  }
0x9c: {  	s22 =	simm.s32 $0x1BFF;
	s21 =	sshll.u32 s7, $0x1;
	s4 =	sadd.s32 s5, s19  }
0x9d: {  	s8 =	simm.s32 $0x0;
	s20 =	sshll.u32 s6, $0x1;
	s6 =	sadd.s32 s21, s4  }
0x9e: {  	[timem:s8], [sflag:s22] =	dma.local [hbm:s6], s20  }
0x9f: {  	_ =	swait.ge [sflag:s22], s20  }
0xa0: {  	s5 =	ssub.s32 $0x0, s20;
	[sflag:s22] =	ssyncset.done $0x0  }
0xa1: {  	[sflag:s22] =	ssyncadd.s32 s5;
	_ =	sdelay $0x1  }
0xa2: {  	s23 =	simm.s32 $0x1B8B  }
0xa3: {  	_ =	swait.ge [sflag:s23], $0x1  }
0xa4: {  	[sflag:s23] =	ssyncset.done $0x0  }
0xa5: {  	s25 =	simm.s32 $0x1B8E;
	s24 =	sld [smem:$0x3FFE];
	[sflag:s23] =	ssyncadd.s32 $0xFFFFFFFF  }
0xa6: {  	s26 =	simm.s32 $execute0_lowered;
	[smem:$0x3FD2] =	sst s25  }
0xa7: {  	s6 =	sshll.u32 s26, $0x1;
	_ =	strace $0x80000046;
	[dreg:$0x1] =	wrdreg $0xFFFFFFFF  }
0xa8: {  	s28 =	simm.s32 $_size_execute0_lowered;
	s4 =	sadd.s32 s4, s6;
	[dreg:$0x0] =	wrdreg $0x0  }
0xa9: {  	s6 =	sshll.u32 s28, $0x1;
	[dreg:$0x2] =	wrdreg s4  }
0xaa: {  	[dreg:$0x3] =	wrdreg s6  }
0xab: {  	[dreg:$0x4] =	wrdreg $0xC0  }
0xac: {  	_ =	task [dreg:s8], $0x5FFFF  }
0xad: {  	[dreg:$0x1] =	wrdreg $0xFFFFFFFF  }
0xae: {  	[dreg:$0x0] =	wrdreg $0x60  }
0xaf: {  	[dreg:$0x2] =	wrdreg s2  }
0xb0: {  	[dreg:$0x3] =	wrdreg s18  }
0xb1: {  	[dreg:$0x4] =	wrdreg s24  }
0xb2: {  	[dreg:$0x5] =	wrdreg $0x9  }
0xb3: {  	_ =	task.clear_ibuf [dreg:s8], $0x6FFFF;
	_ =	strace $0x90000046  }
0xb4: {  	s29 =	simm.s32 $0x9;
	_ =	strace $0x80000048  }
0xb5: {  	_ =	swait.ge [sflag:s29], $0x1  }
0xb6: {  	[sflag:s29] =	ssyncadd.s32 $0xFFFFFFFF  }
0xb7: {  	_ =	strace $0x90000048  }
0xb8: {  	_ =	sfence  }
0xb9: {  	s30 =	sld [smem:$0x0];
	_ =	sdelay $0x2  }
0xba: {  	s31 =	sshll.u32 s1, $0xD;
	s1 =	sshrl.u32 s1, $0x2  }
0xbb: {  	s3 =	sand.u32 $0x4000, s31;
	s1 =	sadd.s32 s1, s30  }
0xbc: {  	s0 =	sor.u32 s3, s0;
	s1 =	sshll.u32 s1, $0x11  }
0xbd: {  	s0 =	sor.u32 s1, s0  }
0xbe: {  	s0 =	sadd.s32 $0x8F2B, s0  }
0xbf: {  	[sflag:s0] =	ssyncadd.remote.s32 $0x1  }
0xc0: {  	_ =	sfence.sel $0xFFFF  }
0xc1: {  	[dreg:$0x0] =	wrdreg $0xFFFFFFFF;
	(pc) =	sbr.abs _section_cstart, $3  }
0xc2: {  	[dreg:$0x1] =	wrdreg $0xFFFFFFFF  }
0xc3: {  	_ =	task.clear_ibuf [dreg:s8], $0x2FFFF;
	_ =	strace $0x9FFFFFFF  }
0xc4: {  	(tm) =	ssettm $0x7FFFFFFF  }
0xc5: {  	_ =	shalt  }
tec
execute0_lowered:
.L_overlay_start_1:
0x0: {  	(tag) =	ssettag $0x1  }
0x1: {  	s1 =	rddreg [dreg:$0x0]  }
0x2: {  	s2 =	rddreg [dreg:$0x1]  }
0x3: {  	s7 =	rddreg [dreg:$0x2];
	s4 =	simm.s32 $0x0  }
0x4: {  	[smem:$0x7FF] =	sst s4  }
0x5: {  	s0 =	rddreg [dreg:$0x3];
	s5 =	srdreg.scid;
	v0 =	vimm.f32 $8.999999760e-01;
	_ =	strace $0x80000047  }
0x6: {  	s3 =	stileid.u32;
	s13 =	simm.s32 $0x7;
	s14 =	simm.s32 $0x10000;
	(erf) = vrcp.f32 v0  }
0x7: {  	s15 =	simm.s32 $0x1;
	s16 =	simm.s32 $0x3;
	s17 =	simm.s32 $0x8000  }
0x8: {  	s18 =	simm.s32 $0x10100;
	s19 =	simm.s32 $0x2;
	s20 =	simm.s32 $0x4  }
0x9: {  	s21 =	simm.s32 $0x5;
	s22 =	simm.s32 $0x6;
	s8 =	sand.u32 $0x1, s5  }
0xa: {  	s23 =	simm.s32 $0x0;
	s30 =	sshll.u32 s3, $0x10;
	s6 =	sshll.u32 s8, $0xF  }
.Ltmp0:
0xb: {  	s8 =	ssub.s32 $0x2, s8;
	s5 =	sor.u32 s6, s30;
	(pc) =	sbr.rel .LBB2_1-.Ltmp0, $4  }
0xc: {  	s6 =	sadd.s32 $0x400, s7;
	s31 =	sshrl.u32 s8, $0x1;
	s9 =	sshll.u32 s5, $0x4  }
0xd: {  	s11 =	sshrl.u32 s5, $0x3;
	s12 =	ssub.s32 s8, s31;
	s10 =	sadd.s32 s9, s7  }
0xe: {  	s7 =	sadd.s32 s6, s9;
	s8 =	sadd.s32 s2, s11;
	s11 =	smax.u32 s12, $0x1  }
0xf: {  	s12 =	simm.s32 $0x10200;
	s9 =	sadd.s32 $0x1000400, s10;
	s10 =	sor.u32 $0x200, s5;
	v0 =	vpop (erf)  }
.LBB2_17:
0x10: {  	s23 =	sadd.s32 $0x1, s23  }
0x11: {  	_ =	swait.ge [sflag:s21], $0x8000;
	p0 =	sne.s32 s23, s11  }
.Ltmp1:
0x12: {  	[sflag:s21] =	ssyncset.done $0x0;
	(pc) =	sbr.rel @!p0 .LBB2_18-.Ltmp1, $4  }
0x13: {  	[sflag:s21] =	ssyncadd.s32 $0xFFFF8000  }
0x14: {  	_ =	swait.ge [sflag:s22], $0x8000  }
0x15: {  	[sflag:s22] =	ssyncset.done $0x0  }
0x16: {  	[sflag:s22] =	ssyncadd.s32 $0xFFFF8000  }
.LBB2_1:
0x17: {  	[tilespmem:s12], [sflag:$0x7] =	stream.linear.gather [hbm4b:s1+s4], $0x80, $0x38;
	[tilespmem:$0x10280] =	vst v63  }
0x18: {  	_ =	swait.ge [sflag:s13], $0x80  }
0x19: {  	[sflag:s13] =	ssyncset.done $0x0  }
0x1a: {  	[sflag:s13] =	ssyncadd.s32 $0xFFFFFF80  }
0x1b: {  	v1 =	vld [tilespmem:$0x10200];
	_ =	sdelay $0x4  }
0x1c: {  	v1 =	vadd.f32 $8.999999760e-01, v1;
	_ =	sdelay $0x1  }
0x1d: {  	v1 =	vtrunc.f32 v1  }
.Ltmp2:
0x1e: {  	v1 =	vcvt.f32.s32 v1;
	(pc) =	sbr.rel .LBB2_2-.Ltmp2, $4  }
0x1f: {  	_ = 	snop  }
0x20: {  	[tilespmem:s4], [sflag:$0x1] =	stream.linear.gather [hbm4b:s7+s4], $0x8000, $0x38;
	v1 =	vcvt.s32.f32 v1;
	[tilespmem:$0x10280] =	vst v63  }
0x21: {  	s24 =	simm.s32 $0x0  }
0x22: {  	[tilespmem:s14], [sflag:$0x3] =	stream.linear.gather [hbm4b:s8+s4], $0x100, $0x38;
	v1 =	vmul.f32 v1, v0;
	[tilespmem:$0x10280] =	vst v63  }
.LBB2_12:
0x23: {  	[tilespmem:s26+$0xFFFFFC00] =	vst v25;
	v16 =	vmul.f32 v16, v6  }
0x24: {  	v23 =	vmul.f32 v23, v17;
	[tilespmem:s26+$0xFFFFFD00] =	vst v24  }
0x25: {  	v12 =	vmul.f32 v12, v19;
	[tilespmem:s26+$0x380] =	vst v16  }
0x26: {  	v34 =	vmul.f32 v21, v15;
	[tilespmem:s26+$0x300] =	vst v23  }
0x27: {  	v20 =	vmul.f32 v22, v20;
	[tilespmem:s26+$0xFFFFFC10] =	vst v12  }
0x28: {  	v35 =	vmul.f32 v13, v17;
	[tilespmem:s26+$0x210] =	vst v34  }
0x29: {  	v39 =	vbroadcast v4, $0x6;
	v9 =	vmul.f32 v9, v15;
	[tilespmem:s26+$0xFFFFFD10] =	vst v20  }
0x2a: {  	v40 =	vmul.f32 v18, v14;
	[tilespmem:s26+$0x310] =	vst v35  }
0x2b: {  	v42 =	vbroadcast v4, $0x5;
	v8 =	vmul.f32 v8, v39;
	[tilespmem:s26+$0x200] =	vst v9  }
0x2c: {  	v44 =	vbroadcast v4, $0x7;
	v10 =	vmul.f32 v10, v39;
	[tilespmem:s26+$0x290] =	vst v40  }
0x2d: {  	v32 =	vld [tilespmem:s26+$0x280];
	v36 =	vbroadcast v4, $0xB;
	v7 =	vmul.f32 v7, v42;
	[tilespmem:s26+$0xFFFFFF10] =	vst v8  }
0x2e: {  	v33 =	vld [tilespmem:s26+$0x190];
	v50 =	vbroadcast v4, $0x3;
	v5 =	vmul.f32 v5, v44;
	[tilespmem:s26+$0xFFFFFF00] =	vst v10  }
0x2f: {  	v41 =	vld [tilespmem:s26+$0xFFFFFE90];
	v57 =	vbroadcast v4, $0x4;
	v11 =	vmul.f32 v11, v36;
	[tilespmem:s26+$0xFFFFFE80] =	vst v7  }
0x30: {  	v43 =	vld [tilespmem:s26+$0xFFFFFC80];
	v2 =	vmul.f32 v2, v50;
	[tilespmem:s26+$0xFFFFFF90] =	vst v5  }
0x31: {  	v46 =	vld [tilespmem:s26+$0x100];
	v3 =	vmul.f32 v3, v57;
	[tilespmem:s26+$0x180] =	vst v11  }
0x32: {  	v45 =	vld [tilespmem:s26+$0xFFFFFF80];
	[tilespmem:s26+$0xFFFFFD80] =	vst v2;
	v37 =	vmul.f32 v32, v14  }
0x33: {  	v48 =	vbroadcast v4, $0x1;
	v51 =	vld [tilespmem:s26+$0x390];
	[tilespmem:s26+$0xFFFFFE10] =	vst v3;
	v38 =	vmul.f32 v33, v36  }
0x34: {  	v52 =	vbroadcast v4, $0xA;
	v54 =	vld [tilespmem:s26+$0xFFFFFD90];
	v49 =	vmul.f32 v41, v42;
	[tilespmem:s26+$0x280] =	vst v37  }
0x35: {  	v47 =	vld [tilespmem:s26+$0x80];
	v9 =	vmul.f32 v43, v48;
	[tilespmem:s26+$0x190] =	vst v38  }
0x36: {  	v55 =	vld [tilespmem:s26+$0x110];
	v8 =	vmul.f32 v46, v52;
	[tilespmem:s26+$0xFFFFFE90] =	vst v49  }
0x37: {  	v60 =	vld [tilespmem:s26+$0x0];
	v12 =	vmul.f32 v45, v44;
	[tilespmem:s26+$0xFFFFFC80] =	vst v9  }
0x38: {  	v56 =	vld [tilespmem:s26+$0x90];
	v59 =	vbroadcast v4, $0x9;
	v58 =	vmul.f32 v51, v6;
	[tilespmem:s26+$0x100] =	vst v8  }
0x39: {  	v2 =	vld [tilespmem:s26+$0xFFFFFE00];
	v11 =	vmul.f32 v54, v50;
	[tilespmem:s26+$0xFFFFFF80] =	vst v12  }
0x3a: {  	v62 =	vbroadcast v4, $0x8;
	v3 =	vld [tilespmem:s26+$0x10];
	v61 =	vmul.f32 v47, v59;
	[tilespmem:s26+$0x390] =	vst v58  }
0x3b: {  	v53 =	vld [tilespmem:s26+$0xFFFFFC90];
	v5 =	vmul.f32 v55, v52;
	[tilespmem:s26+$0xFFFFFD90] =	vst v11  }
0x3c: {  	v63 =	vmul.f32 v60, v62;
	[tilespmem:s26+$0x80] =	vst v61  }
0x3d: {  	v8 =	vmul.f32 v56, v59;
	[tilespmem:s26+$0x110] =	vst v5  }
0x3e: {  	[tilespmem:s26+$0x0] =	vst v63;
	v2 =	vmul.f32 v2, v57  }
0x3f: {  	[tilespmem:s26+$0x90] =	vst v8;
	v3 =	vmul.f32 v3, v62  }
0x40: {  	[tilespmem:s26+$0xFFFFFE00] =	vst v2;
	v2 =	vmul.f32 v53, v48  }
0x41: {  	[tilespmem:s26+$0x10] =	vst v3  }
0x42: {  	[tilespmem:s26+$0xFFFFFC90] =	vst v2  }
.LBB2_16:
0x43: {  	s24 =	sadd.s32 $0x1, s24  }
0x44: {  	p0 =	sne.s32 s24, $0x40  }
.Ltmp3:
0x45: {  	_ = 	snop;
	(pc) =	sbr.rel @!p0 .LBB2_17-.Ltmp3, $4  }
0x46: {  	_ = 	snop  }
0x47: {  	s25 =	sshll.u32 s25, $0xC  }
0x48: {  	s25 =	sadd.s32 s25, s9  }
0x49: {  	[hbm4b:s25+s4] =	stream.linear.scatter [tilespmem:s17], [sflag:$0x6], $0x8000, $0x38;
	[tilespmem:$0x10280] =	vst v63  }
.LBB2_2:
0x4a: {  	_ =	swait.ge [sflag:s15], $0x8000  }
0x4b: {  	[sflag:s15] =	ssyncset.done $0x0  }
0x4c: {  	[sflag:s15] =	ssyncadd.s32 $0xFFFF8000  }
0x4d: {  	_ =	swait.ge [sflag:s16], $0x100  }
0x4e: {  	s25 =	sshllo.u32 s24, $0x1;
	p0 =	seq.s32 s24, $0x0;
	[sflag:s16] =	ssyncset.done $0x0  }
0x4f: {  	s26 =	simm.s32 @!p0 $0x6;
	s28 =	sshll.u32 s25, $0x8;
	[sflag:s16] =	ssyncadd.s32 $0xFFFFFF00  }
0x50: {  	s28 =	sadd.s32 s5, s28;
	_ =	swait.ge @!p0 [sflag:s26], $0x8000  }
0x51: {  	s31 =	simm.s32 $0x0;
	s29 =	sshll.u32 s28, $0x4;
	[sflag:s26] =	ssyncset.done @!p0 $0x0  }
0x52: {  	s28 =	sshrl.u32 s28, $0x3;
	s30 =	sadd.s32 s6, s29;
	[sflag:s26] =	ssyncadd.s32 @!p0 $0xFFFF8000  }
0x53: {  	[tilespmem:s17], [sflag:$0x2] =	stream.linear.gather [hbm4b:s30+s31], $0x8000, $0x38;
	[tilespmem:$0x10280] =	vst v63  }
0x54: {  	s26 =	sadd.s32 s2, s28  }
0x55: {  	[tilespmem:s18], [sflag:$0x4] =	stream.linear.gather [hbm4b:s26+s31], $0x100, $0x38;
	[tilespmem:$0x10280] =	vst v63  }
0x56: {  	v2 =	vld [tilespmem:$0x10000]  }
0x57: {  	v3 =	vld [tilespmem:$0x100F0];
	_ =	sdelay $0x3  }
0x58: {  	(v2sf) =	vpush v2, $0x0  }
0x59: {  	(v2sf) =	vpush v3, $0xF;
	_ =	sdelay $0xd  }
0x5a: {  	s30 =	spop (v2sf)  }
0x5b: {  	s31 =	spop (v2sf)  }
0x5c: {  	p0 =	sne.s32 s30, s31  }
.Ltmp4:
0x5d: {  	_ = 	snop;
	(pc) =	sbr.rel @p0 .LBB2_6-.Ltmp4, $2  }
0x5e: {  	_ =	sdelay $0x2  }
0x5f: {  	s26 =	simm.s32 $0x400  }
0x60: {  	s26 =	simm.s32 $0x0  }
0x61: {  	v3 =	vld [tilespmem:s26+$0x0]  }
0x62: {  	v2 =	vbroadcast v2, $0x0;
	v4 =	vld [tilespmem:s26+$0x10]  }
0x63: {  	v5 =	vld [tilespmem:s26+$0x80]  }
0x64: {  	v6 =	vld [tilespmem:s26+$0x90];
	v2 =	vperm.xlane v1, v2  }
0x65: {  	v7 =	vld [tilespmem:s26+$0x100]  }
0x66: {  	v8 =	vld [tilespmem:s26+$0x110];
	v3 =	vmul.f32 v3, v2  }
0x67: {  	v9 =	vld [tilespmem:s26+$0x180];
	v4 =	vmul.f32 v4, v2  }
0x68: {  	v10 =	vld [tilespmem:s26+$0x190];
	[tilespmem:s26+$0x0] =	vst v3;
	v3 =	vmul.f32 v5, v2  }
0x69: {  	v11 =	vld [tilespmem:s26+$0x200];
	[tilespmem:s26+$0x10] =	vst v4;
	v4 =	vmul.f32 v6, v2  }
0x6a: {  	v12 =	vld [tilespmem:s26+$0x210];
	[tilespmem:s26+$0x80] =	vst v3;
	v3 =	vmul.f32 v7, v2  }
0x6b: {  	v5 =	vmul.f32 v8, v2;
	[tilespmem:s26+$0x90] =	vst v4;
	v4 =	vld [tilespmem:s26+$0x280]  }
0x6c: {  	v6 =	vmul.f32 v9, v2;
	[tilespmem:s26+$0x100] =	vst v3;
	v3 =	vld [tilespmem:s26+$0x290]  }
0x6d: {  	[tilespmem:s26+$0x110] =	vst v5;
	v5 =	vld [tilespmem:s26+$0x300];
	v7 =	vmul.f32 v10, v2  }
0x6e: {  	v9 =	vmul.f32 v11, v2;
	[tilespmem:s26+$0x180] =	vst v6;
	v6 =	vld [tilespmem:s26+$0x310]  }
0x6f: {  	s28 =	simm.s32 $0x1000;
	v8 =	vmul.f32 v12, v2;
	[tilespmem:s26+$0x190] =	vst v7;
	v7 =	vld [tilespmem:s26+$0x380]  }
.LBB2_4:
0x70: {  	s29 =	sshra.s32 s28, $0x2;
	p0 =	seq.s32 s28, $0x1F000;
	[tilespmem:s26+$0x200] =	vst v9;
	v4 =	vmul.f32 v4, v2;
	v9 =	vld [tilespmem:s26+$0x390]  }
0x71: {  	v10 =	vld [tilespmem:s29+$0x0];
	[tilespmem:s26+$0x210] =	vst v8;
	v3 =	vmul.f32 v3, v2  }
0x72: {  	v8 =	vld [tilespmem:s29+$0x10];
	[tilespmem:s26+$0x280] =	vst v4;
	v4 =	vmul.f32 v5, v2  }
0x73: {  	v5 =	vld [tilespmem:s29+$0x80];
	[tilespmem:s26+$0x290] =	vst v3;
	v3 =	vmul.f32 v6, v2  }
0x74: {  	v6 =	vld [tilespmem:s29+$0x90];
	[tilespmem:s26+$0x300] =	vst v4;
	v4 =	vmul.f32 v7, v2  }
0x75: {  	v7 =	vld [tilespmem:s29+$0x100];
	[tilespmem:s26+$0x310] =	vst v3;
	v3 =	vmul.f32 v9, v2  }
0x76: {  	v9 =	vmul.f32 v10, v2;
	v10 =	vld [tilespmem:s29+$0x110];
	[tilespmem:s26+$0x380] =	vst v4  }
0x77: {  	v4 =	vmul.f32 v8, v2;
	v8 =	vld [tilespmem:s29+$0x180];
	[tilespmem:s26+$0x390] =	vst v3;
	s26 =	smov.u32 s29  }
0x78: {  	[tilespmem:s26+$0x0] =	vst v9;
	v3 =	vmul.f32 v5, v2;
	v5 =	vld [tilespmem:s26+$0x190]  }
0x79: {  	[tilespmem:s26+$0x10] =	vst v4;
	v4 =	vmul.f32 v6, v2;
	v6 =	vld [tilespmem:s26+$0x200]  }
0x7a: {  	[tilespmem:s26+$0x80] =	vst v3;
	v3 =	vmul.f32 v7, v2;
	v7 =	vld [tilespmem:s26+$0x210]  }
.Ltmp5:
0x7b: {  	[tilespmem:s26+$0x90] =	vst v4;
	v9 =	vmul.f32 v10, v2;
	v4 =	vld [tilespmem:s26+$0x280];
	(pc) =	sbr.rel @!p0 .LBB2_4-.Ltmp5, $4  }
0x7c: {  	[tilespmem:s26+$0x100] =	vst v3;
	v8 =	vmul.f32 v8, v2;
	v3 =	vld [tilespmem:s26+$0x290]  }
0x7d: {  	[tilespmem:s26+$0x110] =	vst v9;
	v10 =	vmul.f32 v5, v2;
	v5 =	vld [tilespmem:s26+$0x300]  }
0x7e: {  	[tilespmem:s26+$0x180] =	vst v8;
	v9 =	vmul.f32 v6, v2;
	v6 =	vld [tilespmem:s26+$0x310]  }
0x7f: {  	s28 =	sadd.s32 $0x1000, s28;
	[tilespmem:s26+$0x190] =	vst v10;
	v8 =	vmul.f32 v7, v2;
	v7 =	vld [tilespmem:s26+$0x380]  }
0x80: {  	[tilespmem:s26+$0x200] =	vst v9;
	v4 =	vmul.f32 v4, v2;
	v61 =	vld [tilespmem:s26+$0x390]  }
0x81: {  	[tilespmem:s26+$0x210] =	vst v8;
	v3 =	vmul.f32 v3, v2  }
0x82: {  	[tilespmem:s26+$0x280] =	vst v4;
	v62 =	vmul.f32 v5, v2  }
.Ltmp6:
0x83: {  	[tilespmem:s26+$0x290] =	vst v3;
	v3 =	vmul.f32 v6, v2;
	(pc) =	sbr.rel .LBB2_9-.Ltmp6, $4  }
0x84: {  	[tilespmem:s26+$0x300] =	vst v62;
	v63 =	vmul.f32 v7, v2  }
0x85: {  	[tilespmem:s26+$0x310] =	vst v3;
	v2 =	vmul.f32 v61, v2  }
0x86: {  	[tilespmem:s26+$0x380] =	vst v63  }
0x87: {  	[tilespmem:s26+$0x390] =	vst v2  }
.LBB2_6:
0x88: {  	v7 =	vld [tilespmem:s26+$0xFFFFFE80]  }
0x89: {  	v2 =	vld [tilespmem:s26+$0xFFFFFD80]  }
0x8a: {  	v5 =	vld [tilespmem:s26+$0xFFFFFF90]  }
0x8b: {  	v8 =	vld [tilespmem:s26+$0xFFFFFF10]  }
0x8c: {  	v9 =	vld [tilespmem:s26+$0x200]  }
0x8d: {  	v12 =	vld [tilespmem:s26+$0xFFFFFC10]  }
0x8e: {  	s28 =	simm.s32 $0x0;
	v16 =	vld [tilespmem:s26+$0x380]  }
0x8f: {  	v4 =	vld [tilespmem:s28+$0x10000]  }
0x90: {  	v11 =	vld [tilespmem:s26+$0xFFFFFD00]  }
0x91: {  	v3 =	vld [tilespmem:s26+$0xFFFFFE10]  }
0x92: {  	v10 =	vld [tilespmem:s26+$0xFFFFFF00]  }
0x93: {  	v14 =	vld [tilespmem:s26+$0xFFFFFC00]  }
0x94: {  	v13 =	vld [tilespmem:s26+$0x310];
	v4 =	vperm.xlane v1, v4  }
0x95: {  	v23 =	vld [tilespmem:s26+$0x300]  }
0x96: {  	v21 =	vld [tilespmem:s26+$0x210];
	v19 =	vbroadcast v4, $0x0;
	v6 =	vbroadcast v4, $0xF  }
0x97: {  	v22 =	vld [tilespmem:s26+$0xFFFFFD10];
	v20 =	vbroadcast v4, $0x2;
	v17 =	vbroadcast v4, $0xE  }
0x98: {  	v18 =	vld [tilespmem:s26+$0x290];
	v15 =	vbroadcast v4, $0xC;
	v25 =	vmul.f32 v19, v14  }
0x99: {  	s29 =	simm.s32 $0x400;
	s28 =	simm.s32 $0x40;
	v14 =	vbroadcast v4, $0xD;
	v24 =	vmul.f32 v11, v20;
	v11 =	vld [tilespmem:s26+$0x180]  }
.LBB2_7:
0x9a: {  	p0 =	sne.s32 s28, $0x3C0  }
0x9b: {  	[tilespmem:s26+$0xFFFFFC00] =	vst v25;
	v25 =	vld [tilespmem:s26+$0xFFFFFE90];
	v23 =	vmul.f32 v23, v17;
	v16 =	vmul.f32 v16, v6;
	s29 =	sadd.s32 $0x800, s29;
	s30 =	smov.u32 s28;
	s28 =	sadd.s32 $0x40, s28  }
0x9c: {  	[tilespmem:s26+$0xFFFFFD00] =	vst v24;
	v24 =	vbroadcast v4, $0xA;
	v21 =	vmul.f32 v21, v15;
	v26 =	vld [tilespmem:s26+$0x280]  }
0x9d: {  	v12 =	vmul.f32 v12, v19;
	v19 =	vmul.f32 v22, v20;
	v20 =	vld [tilespmem:s26+$0x190];
	[tilespmem:s26+$0x380] =	vst v16  }
0x9e: {  	v16 =	vbroadcast v4, $0x5;
	v22 =	vld [tilespmem:s26+$0xFFFFFF80];
	v18 =	vmul.f32 v18, v14;
	[tilespmem:s26+$0x300] =	vst v23  }
0x9f: {  	v13 =	vmul.f32 v13, v17;
	v23 =	vbroadcast v4, $0x6;
	[tilespmem:s26+$0xFFFFFC10] =	vst v12;
	v12 =	vld [tilespmem:s26+$0xFFFFFC80]  }
0xa0: {  	v27 =	vbroadcast v4, $0xB;
	v7 =	vmul.f32 v7, v16;
	v17 =	vld [tilespmem:s26+$0x100];
	[tilespmem:s26+$0x210] =	vst v21  }
0xa1: {  	v21 =	vbroadcast v4, $0x9;
	[tilespmem:s26+$0xFFFFFD10] =	vst v19;
	v19 =	vld [tilespmem:s26+$0x80];
	v14 =	vmul.f32 v26, v14  }
0xa2: {  	v16 =	vmul.f32 v25, v16;
	v25 =	vld [tilespmem:s26+$0x110];
	v20 =	vmul.f32 v20, v27;
	[tilespmem:s26+$0x310] =	vst v13  }
0xa3: {  	v9 =	vmul.f32 v9, v15;
	v13 =	vbroadcast v4, $0x7;
	v26 =	vld [tilespmem:s26+$0x90];
	[tilespmem:s26+$0x280] =	vst v14  }
0xa4: {  	v10 =	vmul.f32 v10, v23;
	v14 =	vbroadcast v4, $0x3;
	v15 =	vld [tilespmem:s26+$0x0];
	[tilespmem:s26+$0x190] =	vst v20  }
0xa5: {  	v11 =	vmul.f32 v11, v27;
	v8 =	vmul.f32 v8, v23;
	v20 =	vld [tilespmem:s26+$0x10];
	[tilespmem:s26+$0x200] =	vst v9  }
0xa6: {  	v23 =	vbroadcast v4, $0x8;
	v17 =	vmul.f32 v17, v24;
	v9 =	vld [tilespmem:s26+$0xFFFFFC90];
	[tilespmem:s26+$0x290] =	vst v18  }
0xa7: {  	v18 =	vbroadcast v4, $0x1;
	v27 =	vld [tilespmem:s26+$0xFFFFFD90];
	[tilespmem:s26+$0xFFFFFF10] =	vst v8;
	v24 =	vmul.f32 v25, v24  }
0xa8: {  	v5 =	vmul.f32 v5, v13;
	v8 =	vmul.f32 v22, v13;
	[tilespmem:s26+$0xFFFFFF00] =	vst v10;
	v10 =	vld [tilespmem:s26+$0x390]  }
0xa9: {  	v22 =	vmul.f32 v26, v21;
	v13 =	vld [tilespmem:s26+$0xFFFFFE00];
	[tilespmem:s26+$0xFFFFFE80] =	vst v7;
	v15 =	vmul.f32 v15, v23  }
0xaa: {  	v7 =	vld [tilespmem:s29+$0xFFFFFE80];
	[tilespmem:s26+$0xFFFFFF90] =	vst v5;
	v20 =	vmul.f32 v20, v23;
	v5 =	vmul.f32 v19, v21  }
0xab: {  	v12 =	vmul.f32 v12, v18;
	v18 =	vmul.f32 v9, v18;
	[tilespmem:s26+$0x180] =	vst v11  }
0xac: {  	v2 =	vmul.f32 v2, v14;
	v9 =	vmul.f32 v27, v14;
	[tilespmem:s26+$0xFFFFFE90] =	vst v16  }
0xad: {  	v4 =	vbroadcast v4, $0x4;
	[tilespmem:s26+$0xFFFFFC80] =	vst v12;
	v6 =	vmul.f32 v10, v6  }
0xae: {  	[tilespmem:s26+$0xFFFFFD80] =	vst v2  }
0xaf: {  	v10 =	vmul.f32 v13, v4;
	v2 =	vmul.f32 v3, v4;
	[tilespmem:s26+$0x100] =	vst v17  }
0xb0: {  	[tilespmem:s26+$0xFFFFFF80] =	vst v8  }
0xb1: {  	[tilespmem:s26+$0x390] =	vst v6  }
0xb2: {  	[tilespmem:s26+$0xFFFFFE10] =	vst v2  }
0xb3: {  	[tilespmem:s26+$0xFFFFFD90] =	vst v9  }
0xb4: {  	[tilespmem:s26+$0x80] =	vst v5  }
0xb5: {  	v2 =	vld [tilespmem:s29+$0xFFFFFD80];
	[tilespmem:s26+$0x90] =	vst v22  }
0xb6: {  	v5 =	vld [tilespmem:s29+$0xFFFFFF90];
	[tilespmem:s26+$0xFFFFFE00] =	vst v10  }
0xb7: {  	v8 =	vld [tilespmem:s29+$0xFFFFFF10];
	[tilespmem:s26+$0x110] =	vst v24  }
0xb8: {  	v9 =	vld [tilespmem:s29+$0x200];
	[tilespmem:s26+$0x0] =	vst v15  }
0xb9: {  	v12 =	vld [tilespmem:s29+$0xFFFFFC10];
	[tilespmem:s26+$0xFFFFFC90] =	vst v18  }
0xba: {  	s30 =	sshra.s32 s30, $0x2;
	v16 =	vld [tilespmem:s29+$0x380];
	[tilespmem:s26+$0x10] =	vst v20;
	s26 =	smov.u32 s29  }
0xbb: {  	v4 =	vld [tilespmem:s30+$0x10000]  }
0xbc: {  	v11 =	vld [tilespmem:s29+$0xFFFFFD00]  }
0xbd: {  	v3 =	vld [tilespmem:s29+$0xFFFFFE10]  }
0xbe: {  	v10 =	vld [tilespmem:s29+$0xFFFFFF00]  }
0xbf: {  	v14 =	vld [tilespmem:s29+$0xFFFFFC00]  }
0xc0: {  	v4 =	vperm.xlane v1, v4;
	v13 =	vld [tilespmem:s29+$0x310]  }
.Ltmp7:
0xc1: {  	v23 =	vld [tilespmem:s29+$0x300];
	(pc) =	sbr.rel @p0 .LBB2_7-.Ltmp7, $4  }
0xc2: {  	v19 =	vbroadcast v4, $0x0;
	v21 =	vld [tilespmem:s29+$0x210];
	v6 =	vbroadcast v4, $0xF  }
0xc3: {  	v20 =	vbroadcast v4, $0x2;
	v17 =	vbroadcast v4, $0xE;
	v22 =	vld [tilespmem:s29+$0xFFFFFD10]  }
0xc4: {  	v25 =	vmul.f32 v19, v14;
	v14 =	vbroadcast v4, $0xD;
	v18 =	vld [tilespmem:s29+$0x290]  }
0xc5: {  	v15 =	vbroadcast v4, $0xC;
	v24 =	vmul.f32 v11, v20;
	v11 =	vld [tilespmem:s29+$0x180]  }
0xc6: {  	[tilespmem:s26+$0xFFFFFC00] =	vst v25;
	v16 =	vmul.f32 v16, v6  }
0xc7: {  	v23 =	vmul.f32 v23, v17;
	[tilespmem:s26+$0xFFFFFD00] =	vst v24  }
0xc8: {  	v12 =	vmul.f32 v12, v19;
	[tilespmem:s26+$0x380] =	vst v16  }
0xc9: {  	v35 =	vmul.f32 v13, v17;
	[tilespmem:s26+$0x300] =	vst v23  }
0xca: {  	v34 =	vmul.f32 v21, v15;
	[tilespmem:s26+$0xFFFFFC10] =	vst v12  }
0xcb: {  	v39 =	vbroadcast v4, $0x6;
	v9 =	vmul.f32 v9, v15;
	[tilespmem:s26+$0x310] =	vst v35  }
0xcc: {  	v20 =	vmul.f32 v22, v20;
	[tilespmem:s26+$0x210] =	vst v34  }
0xcd: {  	v42 =	vbroadcast v4, $0x5;
	v8 =	vmul.f32 v8, v39;
	[tilespmem:s26+$0x200] =	vst v9  }
0xce: {  	v44 =	vbroadcast v4, $0x7;
	v10 =	vmul.f32 v10, v39;
	[tilespmem:s26+$0xFFFFFD10] =	vst v20  }
0xcf: {  	v50 =	vbroadcast v4, $0x3;
	v7 =	vmul.f32 v7, v42;
	[tilespmem:s26+$0xFFFFFF10] =	vst v8  }
0xd0: {  	v32 =	vld [tilespmem:s26+$0x280];
	v57 =	vbroadcast v4, $0x4;
	v5 =	vmul.f32 v5, v44;
	[tilespmem:s26+$0xFFFFFF00] =	vst v10  }
0xd1: {  	v33 =	vld [tilespmem:s26+$0x190];
	v2 =	vmul.f32 v2, v50;
	[tilespmem:s26+$0xFFFFFE80] =	vst v7  }
0xd2: {  	v36 =	vbroadcast v4, $0xB;
	v41 =	vld [tilespmem:s26+$0xFFFFFE90];
	v3 =	vmul.f32 v3, v57;
	[tilespmem:s26+$0xFFFFFF90] =	vst v5  }
0xd3: {  	v43 =	vld [tilespmem:s26+$0xFFFFFC80];
	v40 =	vmul.f32 v18, v14;
	[tilespmem:s26+$0xFFFFFD80] =	vst v2  }
0xd4: {  	v46 =	vld [tilespmem:s26+$0x100];
	v11 =	vmul.f32 v11, v36;
	[tilespmem:s26+$0xFFFFFE10] =	vst v3  }
0xd5: {  	v45 =	vld [tilespmem:s26+$0xFFFFFF80];
	v37 =	vmul.f32 v32, v14;
	[tilespmem:s26+$0x290] =	vst v40  }
0xd6: {  	v48 =	vbroadcast v4, $0x1;
	v51 =	vld [tilespmem:s26+$0x390];
	v38 =	vmul.f32 v33, v36;
	[tilespmem:s26+$0x180] =	vst v11  }
0xd7: {  	v47 =	vld [tilespmem:s26+$0x80];
	v52 =	vbroadcast v4, $0xA;
	v49 =	vmul.f32 v41, v42;
	[tilespmem:s26+$0x280] =	vst v37  }
0xd8: {  	v55 =	vld [tilespmem:s26+$0x110];
	v9 =	vmul.f32 v43, v48;
	[tilespmem:s26+$0x190] =	vst v38  }
0xd9: {  	v60 =	vld [tilespmem:s26+$0x0];
	v8 =	vmul.f32 v46, v52;
	[tilespmem:s26+$0xFFFFFE90] =	vst v49  }
0xda: {  	v54 =	vld [tilespmem:s26+$0xFFFFFD90];
	v59 =	vbroadcast v4, $0x9;
	v12 =	vmul.f32 v45, v44;
	[tilespmem:s26+$0xFFFFFC80] =	vst v9  }
0xdb: {  	v56 =	vld [tilespmem:s26+$0x90];
	v58 =	vmul.f32 v51, v6;
	[tilespmem:s26+$0x100] =	vst v8  }
0xdc: {  	v62 =	vbroadcast v4, $0x8;
	v2 =	vld [tilespmem:s26+$0xFFFFFE00];
	v61 =	vmul.f32 v47, v59;
	[tilespmem:s26+$0xFFFFFF80] =	vst v12  }
0xdd: {  	v3 =	vld [tilespmem:s26+$0x10];
	v5 =	vmul.f32 v55, v52;
	[tilespmem:s26+$0x390] =	vst v58  }
0xde: {  	v53 =	vld [tilespmem:s26+$0xFFFFFC90];
	v63 =	vmul.f32 v60, v62;
	[tilespmem:s26+$0x80] =	vst v61  }
0xdf: {  	v11 =	vmul.f32 v54, v50;
	[tilespmem:s26+$0x110] =	vst v5  }
0xe0: {  	v8 =	vmul.f32 v56, v59;
	[tilespmem:s26+$0x0] =	vst v63  }
0xe1: {  	[tilespmem:s26+$0xFFFFFD90] =	vst v11;
	v2 =	vmul.f32 v2, v57  }
0xe2: {  	[tilespmem:s26+$0x90] =	vst v8;
	v3 =	vmul.f32 v3, v62  }
0xe3: {  	[tilespmem:s26+$0xFFFFFE00] =	vst v2;
	v2 =	vmul.f32 v53, v48  }
0xe4: {  	[tilespmem:s26+$0x10] =	vst v3  }
0xe5: {  	[tilespmem:s26+$0xFFFFFC90] =	vst v2  }
.LBB2_9:
0xe6: {  	s26 =	sshll.u32 s24, $0xD  }
0xe7: {  	s26 =	sadd.s32 s26, s9  }
0xe8: {  	[hbm4b:s26+s4] =	stream.linear.scatter [tilespmem:s4], [sflag:$0x5], $0x8000, $0x38;
	[tilespmem:$0x10280] =	vst v63  }
0xe9: {  	_ =	swait.ge [sflag:s19], $0x8000  }
0xea: {  	[sflag:s19] =	ssyncset.done $0x0  }
0xeb: {  	[sflag:s19] =	ssyncadd.s32 $0xFFFF8000  }
0xec: {  	_ =	swait.ge [sflag:s20], $0x100  }
0xed: {  	p0 =	seq.s32 s24, $0x3F;
	[sflag:s20] =	ssyncset.done $0x0  }
0xee: {  	s28 =	sshll.u32 @!p0 s24, $0x9;
	s26 =	simm.s32 @!p0 $0x5;
	[sflag:s20] =	ssyncadd.s32 $0xFFFFFF00  }
0xef: {  	s28 =	sadd.s32 @!p0 s28, s10;
	_ =	swait.ge @!p0 [sflag:s26], $0x8000  }
0xf0: {  	s29 =	sshll.u32 @!p0 s28, $0x4;
	[sflag:s26] =	ssyncset.done @!p0 $0x0  }
0xf1: {  	[sflag:s26] =	ssyncadd.s32 @!p0 $0xFFFF8000;
	s26 =	sadd.s32 @!p0 s6, s29;
	s29 =	simm.s32 @!p0 $0x0  }
0xf2: {  	[tilespmem:s29], [sflag:$0x1] =	stream.linear.gather @!p0 [hbm4b:s26+s29], $0x8000, $0x38;
	[tilespmem:$0x10280] =	vst v63  }
0xf3: {  	s26 =	sshrl.u32 @!p0 s28, $0x3  }
0xf4: {  	s28 =	simm.s32 @!p0 $0x10000;
	s26 =	sadd.s32 @!p0 s2, s26  }
0xf5: {  	[tilespmem:s28], [sflag:$0x3] =	stream.linear.gather @!p0 [hbm4b:s26+s29], $0x100, $0x38;
	[tilespmem:$0x10280] =	vst v63  }
0xf6: {  	v2 =	vld [tilespmem:$0x10100]  }
0xf7: {  	v3 =	vld [tilespmem:$0x101F0];
	_ =	sdelay $0x3  }
0xf8: {  	(v2sf) =	vpush v2, $0x0  }
0xf9: {  	(v2sf) =	vpush v3, $0xF;
	_ =	sdelay $0xd  }
0xfa: {  	s30 =	spop (v2sf)  }
0xfb: {  	s31 =	spop (v2sf)  }
0xfc: {  	p0 =	sne.s32 s30, s31  }
.Ltmp8:
0xfd: {  	_ = 	snop;
	(pc) =	sbr.rel @p0 .LBB2_10-.Ltmp8, $1  }
0xfe: {  	_ =	sdelay $0x3  }
0xff: {  	s26 =	simm.s32 $0x0  }
0x100: {  	v3 =	vld [tilespmem:s26+$0x8000]  }
0x101: {  	v2 =	vbroadcast v2, $0x0;
	v4 =	vld [tilespmem:s26+$0x8010]  }
0x102: {  	v5 =	vld [tilespmem:s26+$0x8080]  }
0x103: {  	v6 =	vld [tilespmem:s26+$0x8090];
	v2 =	vperm.xlane v1, v2  }
0x104: {  	v7 =	vld [tilespmem:s26+$0x8100]  }
0x105: {  	v8 =	vld [tilespmem:s26+$0x8110];
	v3 =	vmul.f32 v3, v2  }
0x106: {  	v9 =	vld [tilespmem:s26+$0x8180];
	v4 =	vmul.f32 v4, v2  }
0x107: {  	v10 =	vld [tilespmem:s26+$0x8190];
	[tilespmem:s26+$0x8000] =	vst v3;
	v3 =	vmul.f32 v5, v2  }
0x108: {  	v11 =	vld [tilespmem:s26+$0x8200];
	[tilespmem:s26+$0x8010] =	vst v4;
	v4 =	vmul.f32 v6, v2  }
0x109: {  	v12 =	vld [tilespmem:s26+$0x8210];
	[tilespmem:s26+$0x8080] =	vst v3;
	v3 =	vmul.f32 v7, v2  }
0x10a: {  	v5 =	vmul.f32 v8, v2;
	[tilespmem:s26+$0x8090] =	vst v4;
	v4 =	vld [tilespmem:s26+$0x8280]  }
0x10b: {  	v6 =	vmul.f32 v9, v2;
	[tilespmem:s26+$0x8100] =	vst v3;
	v3 =	vld [tilespmem:s26+$0x8290]  }
0x10c: {  	[tilespmem:s26+$0x8110] =	vst v5;
	v5 =	vld [tilespmem:s26+$0x8300];
	v7 =	vmul.f32 v10, v2  }
0x10d: {  	v9 =	vmul.f32 v11, v2;
	[tilespmem:s26+$0x8180] =	vst v6;
	v6 =	vld [tilespmem:s26+$0x8310]  }
0x10e: {  	s28 =	simm.s32 $0x1000;
	v8 =	vmul.f32 v12, v2;
	[tilespmem:s26+$0x8190] =	vst v7;
	v7 =	vld [tilespmem:s26+$0x8380]  }
.LBB2_14:
0x10f: {  	s29 =	sshra.s32 s28, $0x2;
	p0 =	seq.s32 s28, $0x1F000;
	[tilespmem:s26+$0x8200] =	vst v9;
	v4 =	vmul.f32 v4, v2;
	v9 =	vld [tilespmem:s26+$0x8390]  }
0x110: {  	v10 =	vld [tilespmem:s29+$0x8000];
	[tilespmem:s26+$0x8210] =	vst v8;
	v3 =	vmul.f32 v3, v2  }
0x111: {  	v8 =	vld [tilespmem:s29+$0x8010];
	[tilespmem:s26+$0x8280] =	vst v4;
	v4 =	vmul.f32 v5, v2  }
0x112: {  	v5 =	vld [tilespmem:s29+$0x8080];
	[tilespmem:s26+$0x8290] =	vst v3;
	v3 =	vmul.f32 v6, v2  }
0x113: {  	v6 =	vld [tilespmem:s29+$0x8090];
	[tilespmem:s26+$0x8300] =	vst v4;
	v4 =	vmul.f32 v7, v2  }
0x114: {  	v7 =	vld [tilespmem:s29+$0x8100];
	[tilespmem:s26+$0x8310] =	vst v3;
	v3 =	vmul.f32 v9, v2  }
0x115: {  	v9 =	vmul.f32 v10, v2;
	v10 =	vld [tilespmem:s29+$0x8110];
	[tilespmem:s26+$0x8380] =	vst v4  }
0x116: {  	v4 =	vmul.f32 v8, v2;
	v8 =	vld [tilespmem:s29+$0x8180];
	[tilespmem:s26+$0x8390] =	vst v3;
	s26 =	smov.u32 s29  }
0x117: {  	[tilespmem:s26+$0x8000] =	vst v9;
	v3 =	vmul.f32 v5, v2;
	v5 =	vld [tilespmem:s26+$0x8190]  }
0x118: {  	[tilespmem:s26+$0x8010] =	vst v4;
	v4 =	vmul.f32 v6, v2;
	v6 =	vld [tilespmem:s26+$0x8200]  }
0x119: {  	[tilespmem:s26+$0x8080] =	vst v3;
	v3 =	vmul.f32 v7, v2;
	v7 =	vld [tilespmem:s26+$0x8210]  }
.Ltmp9:
0x11a: {  	[tilespmem:s26+$0x8090] =	vst v4;
	v9 =	vmul.f32 v10, v2;
	v4 =	vld [tilespmem:s26+$0x8280];
	(pc) =	sbr.rel @!p0 .LBB2_14-.Ltmp9, $4  }
0x11b: {  	[tilespmem:s26+$0x8100] =	vst v3;
	v8 =	vmul.f32 v8, v2;
	v3 =	vld [tilespmem:s26+$0x8290]  }
0x11c: {  	[tilespmem:s26+$0x8110] =	vst v9;
	v10 =	vmul.f32 v5, v2;
	v5 =	vld [tilespmem:s26+$0x8300]  }
0x11d: {  	[tilespmem:s26+$0x8180] =	vst v8;
	v9 =	vmul.f32 v6, v2;
	v6 =	vld [tilespmem:s26+$0x8310]  }
0x11e: {  	s28 =	sadd.s32 $0x1000, s28;
	[tilespmem:s26+$0x8190] =	vst v10;
	v8 =	vmul.f32 v7, v2;
	v7 =	vld [tilespmem:s26+$0x8380]  }
0x11f: {  	[tilespmem:s26+$0x8200] =	vst v9;
	v4 =	vmul.f32 v4, v2;
	v61 =	vld [tilespmem:s26+$0x8390]  }
0x120: {  	[tilespmem:s26+$0x8210] =	vst v8;
	v3 =	vmul.f32 v3, v2  }
0x121: {  	[tilespmem:s26+$0x8280] =	vst v4;
	v62 =	vmul.f32 v5, v2  }
.Ltmp10:
0x122: {  	[tilespmem:s26+$0x8290] =	vst v3;
	v3 =	vmul.f32 v6, v2;
	(pc) =	sbr.rel .LBB2_16-.Ltmp10, $4  }
0x123: {  	[tilespmem:s26+$0x8300] =	vst v62;
	v63 =	vmul.f32 v7, v2  }
0x124: {  	[tilespmem:s26+$0x8310] =	vst v3;
	v2 =	vmul.f32 v61, v2  }
0x125: {  	[tilespmem:s26+$0x8380] =	vst v63  }
0x126: {  	[tilespmem:s26+$0x8390] =	vst v2  }
.LBB2_10:
0x127: {  	s26 =	simm.s32 $0x8400  }
0x128: {  	v7 =	vld [tilespmem:s26+$0xFFFFFE80]  }
0x129: {  	v2 =	vld [tilespmem:s26+$0xFFFFFD80]  }
0x12a: {  	v5 =	vld [tilespmem:s26+$0xFFFFFF90]  }
0x12b: {  	v8 =	vld [tilespmem:s26+$0xFFFFFF10]  }
0x12c: {  	v9 =	vld [tilespmem:s26+$0x200]  }
0x12d: {  	v12 =	vld [tilespmem:s26+$0xFFFFFC10]  }
0x12e: {  	s28 =	simm.s32 $0x0;
	v16 =	vld [tilespmem:s26+$0x380]  }
0x12f: {  	v4 =	vld [tilespmem:s28+$0x10100]  }
0x130: {  	v11 =	vld [tilespmem:s26+$0xFFFFFD00]  }
0x131: {  	v3 =	vld [tilespmem:s26+$0xFFFFFE10]  }
0x132: {  	v10 =	vld [tilespmem:s26+$0xFFFFFF00]  }
0x133: {  	v14 =	vld [tilespmem:s26+$0xFFFFFC00]  }
0x134: {  	v13 =	vld [tilespmem:s26+$0x310];
	v4 =	vperm.xlane v1, v4  }
0x135: {  	v23 =	vld [tilespmem:s26+$0x300]  }
0x136: {  	v21 =	vld [tilespmem:s26+$0x210];
	v19 =	vbroadcast v4, $0x0;
	v6 =	vbroadcast v4, $0xF  }
0x137: {  	v22 =	vld [tilespmem:s26+$0xFFFFFD10];
	v20 =	vbroadcast v4, $0x2;
	v17 =	vbroadcast v4, $0xE  }
0x138: {  	v18 =	vld [tilespmem:s26+$0x290];
	v15 =	vbroadcast v4, $0xC;
	v25 =	vmul.f32 v19, v14  }
0x139: {  	s29 =	simm.s32 $0x8400;
	s28 =	simm.s32 $0x40;
	v14 =	vbroadcast v4, $0xD;
	v24 =	vmul.f32 v11, v20;
	v11 =	vld [tilespmem:s26+$0x180]  }
.LBB2_11:
0x13a: {  	p0 =	sne.s32 s28, $0x3C0  }
0x13b: {  	[tilespmem:s26+$0xFFFFFC00] =	vst v25;
	v25 =	vld [tilespmem:s26+$0xFFFFFE90];
	v23 =	vmul.f32 v23, v17;
	v16 =	vmul.f32 v16, v6;
	s29 =	sadd.s32 $0x800, s29;
	s30 =	smov.u32 s28;
	s28 =	sadd.s32 $0x40, s28  }
0x13c: {  	v21 =	vmul.f32 v21, v15;
	[tilespmem:s26+$0xFFFFFD00] =	vst v24;
	v24 =	vbroadcast v4, $0xA;
	v26 =	vld [tilespmem:s26+$0x280]  }
0x13d: {  	v12 =	vmul.f32 v12, v19;
	v19 =	vmul.f32 v22, v20;
	v20 =	vld [tilespmem:s26+$0x190];
	[tilespmem:s26+$0x380] =	vst v16  }
0x13e: {  	v18 =	vmul.f32 v18, v14;
	v16 =	vbroadcast v4, $0x5;
	v22 =	vld [tilespmem:s26+$0xFFFFFF80];
	[tilespmem:s26+$0x300] =	vst v23  }
0x13f: {  	v13 =	vmul.f32 v13, v17;
	v23 =	vbroadcast v4, $0x6;
	[tilespmem:s26+$0xFFFFFC10] =	vst v12;
	v12 =	vld [tilespmem:s26+$0xFFFFFC80]  }
0x140: {  	v27 =	vbroadcast v4, $0xB;
	v7 =	vmul.f32 v7, v16;
	v17 =	vld [tilespmem:s26+$0x100];
	[tilespmem:s26+$0x210] =	vst v21  }
0x141: {  	v21 =	vbroadcast v4, $0x9;
	[tilespmem:s26+$0xFFFFFD10] =	vst v19;
	v19 =	vld [tilespmem:s26+$0x80];
	v14 =	vmul.f32 v26, v14  }
0x142: {  	v16 =	vmul.f32 v25, v16;
	v25 =	vld [tilespmem:s26+$0x110];
	v20 =	vmul.f32 v20, v27;
	[tilespmem:s26+$0x310] =	vst v13  }
0x143: {  	v9 =	vmul.f32 v9, v15;
	v13 =	vbroadcast v4, $0x7;
	v26 =	vld [tilespmem:s26+$0x90];
	[tilespmem:s26+$0x280] =	vst v14  }
0x144: {  	v10 =	vmul.f32 v10, v23;
	v14 =	vbroadcast v4, $0x3;
	v15 =	vld [tilespmem:s26+$0x0];
	[tilespmem:s26+$0x190] =	vst v20  }
0x145: {  	v11 =	vmul.f32 v11, v27;
	v8 =	vmul.f32 v8, v23;
	v20 =	vld [tilespmem:s26+$0x10];
	[tilespmem:s26+$0x200] =	vst v9  }
0x146: {  	v23 =	vbroadcast v4, $0x8;
	v17 =	vmul.f32 v17, v24;
	v9 =	vld [tilespmem:s26+$0xFFFFFC90];
	[tilespmem:s26+$0x290] =	vst v18  }
0x147: {  	v18 =	vbroadcast v4, $0x1;
	v27 =	vld [tilespmem:s26+$0xFFFFFD90];
	[tilespmem:s26+$0xFFFFFF10] =	vst v8;
	v24 =	vmul.f32 v25, v24  }
0x148: {  	v5 =	vmul.f32 v5, v13;
	v8 =	vmul.f32 v22, v13;
	[tilespmem:s26+$0xFFFFFF00] =	vst v10;
	v10 =	vld [tilespmem:s26+$0x390]  }
0x149: {  	v22 =	vmul.f32 v26, v21;
	v13 =	vld [tilespmem:s26+$0xFFFFFE00];
	[tilespmem:s26+$0xFFFFFE80] =	vst v7;
	v15 =	vmul.f32 v15, v23  }
0x14a: {  	v7 =	vld [tilespmem:s29+$0xFFFFFE80];
	[tilespmem:s26+$0xFFFFFF90] =	vst v5;
	v20 =	vmul.f32 v20, v23;
	v5 =	vmul.f32 v19, v21  }
0x14b: {  	v12 =	vmul.f32 v12, v18;
	v18 =	vmul.f32 v9, v18;
	[tilespmem:s26+$0x180] =	vst v11  }
0x14c: {  	v2 =	vmul.f32 v2, v14;
	v9 =	vmul.f32 v27, v14;
	[tilespmem:s26+$0xFFFFFE90] =	vst v16  }
0x14d: {  	v4 =	vbroadcast v4, $0x4;
	[tilespmem:s26+$0xFFFFFC80] =	vst v12;
	v6 =	vmul.f32 v10, v6  }
0x14e: {  	[tilespmem:s26+$0xFFFFFD80] =	vst v2  }
0x14f: {  	v10 =	vmul.f32 v13, v4;
	v2 =	vmul.f32 v3, v4;
	[tilespmem:s26+$0x100] =	vst v17  }
0x150: {  	[tilespmem:s26+$0xFFFFFF80] =	vst v8  }
0x151: {  	[tilespmem:s26+$0x390] =	vst v6  }
0x152: {  	[tilespmem:s26+$0xFFFFFE10] =	vst v2  }
0x153: {  	[tilespmem:s26+$0xFFFFFD90] =	vst v9  }
0x154: {  	[tilespmem:s26+$0x80] =	vst v5  }
0x155: {  	v2 =	vld [tilespmem:s29+$0xFFFFFD80];
	[tilespmem:s26+$0x90] =	vst v22  }
0x156: {  	v5 =	vld [tilespmem:s29+$0xFFFFFF90];
	[tilespmem:s26+$0xFFFFFE00] =	vst v10  }
0x157: {  	v8 =	vld [tilespmem:s29+$0xFFFFFF10];
	[tilespmem:s26+$0x110] =	vst v24  }
0x158: {  	v9 =	vld [tilespmem:s29+$0x200];
	[tilespmem:s26+$0x0] =	vst v15  }
0x159: {  	v12 =	vld [tilespmem:s29+$0xFFFFFC10];
	[tilespmem:s26+$0xFFFFFC90] =	vst v18  }
0x15a: {  	s30 =	sshra.s32 s30, $0x2;
	v16 =	vld [tilespmem:s29+$0x380];
	[tilespmem:s26+$0x10] =	vst v20;
	s26 =	smov.u32 s29  }
0x15b: {  	v4 =	vld [tilespmem:s30+$0x10100]  }
0x15c: {  	v11 =	vld [tilespmem:s29+$0xFFFFFD00]  }
0x15d: {  	v3 =	vld [tilespmem:s29+$0xFFFFFE10]  }
0x15e: {  	v10 =	vld [tilespmem:s29+$0xFFFFFF00]  }
0x15f: {  	v14 =	vld [tilespmem:s29+$0xFFFFFC00]  }
0x160: {  	v4 =	vperm.xlane v1, v4;
	v13 =	vld [tilespmem:s29+$0x310]  }
.Ltmp11:
0x161: {  	v23 =	vld [tilespmem:s29+$0x300];
	(pc) =	sbr.rel @p0 .LBB2_11-.Ltmp11, $4  }
0x162: {  	v19 =	vbroadcast v4, $0x0;
	v21 =	vld [tilespmem:s29+$0x210];
	v6 =	vbroadcast v4, $0xF  }
0x163: {  	v20 =	vbroadcast v4, $0x2;
	v17 =	vbroadcast v4, $0xE;
	v22 =	vld [tilespmem:s29+$0xFFFFFD10]  }
0x164: {  	v25 =	vmul.f32 v19, v14;
	v14 =	vbroadcast v4, $0xD;
	v18 =	vld [tilespmem:s29+$0x290]  }
0x165: {  	v15 =	vbroadcast v4, $0xC;
	v24 =	vmul.f32 v11, v20;
	v11 =	vld [tilespmem:s29+$0x180]  }
.Ltmp12:
0x166: {  	_ = 	snop;
	(pc) =	sbr.rel .LBB2_12-.Ltmp12, $1  }
0x167: {  	_ =	sdelay $0x3  }
.LBB2_18:
0x168: {  	_ =	sfence.sel $0x180000  }
0x169: {  	[bflag:$0x0] =	sbarrier.arrive $0xFFFF  }
0x16a: {  	p0 =	sne.s32 s3, $0x0;
	_ =	strace $0x90000047  }
0x16b: {  	s0 =	sadd.s32 @!p0 $0x100000, s0;
	[bflag:$0x2] =	sbarrier.arrive $0xFFFF  }
0x16c: {  	[sflag:s0] =	ssyncadd.tile.s32 @!p0 $0x1;
	_ =	shalt  }
.Lfunc_end2:
_tile_overlayer_lowered:
.L_overlay_start_2:
0x16d: {  	(tag) =	ssettag $0x2  }
0x16e: {  	s0 =	rddreg [dreg:$0x0];
	s2 =	stileid.u32  }
0x16f: {  	s1 =	rddreg [dreg:$0x1];
	p0 =	sne.s32 s2, $0x0  }
0x170: {  	s3 =	rddreg [dreg:$0x2];
	[bflag:$0x3] =	sbarrier.arrive $0xFFFF;
	s2 =	simm.s32 @!p0 $0x1C07  }
0x171: {  	[timem:s3], [sflag:s2] =	dma.local @!p0 [hbm:s0], s1  }
0x172: {  	s0 =	simm.s32 @!p0 $0x7  }
0x173: {  	_ =	swait.ge @!p0 [sflag:s0], s1  }
0x174: {  	s1 =	ssub.s32 @!p0 $0x0, s1;
	[sflag:s0] =	ssyncset.done @!p0 $0x0  }
0x175: {  	[sflag:s0] =	ssyncadd.s32 @!p0 s1  }
0x176: {  	[bflag:$0x3] =	sbarrier.arrive $0xFFFF  }
0x177: {  	_ =	shalt  }

</sc_bundles>
